<compile_context>
chip_gen: v7x
topology: tpu7x:2x2x1
jax: 0.10.2.dev20260603
libtpu: 0.0.44.dev20260713+nightly
codegen_flags: <defaults>
</compile_context>

<pallas_src>
import functools

import jax
import jax.numpy as jnp
from jax import lax
from jax.experimental import pallas as pl
from jax.experimental.pallas import tpu as pltpu
from jax.experimental.pallas import tpu_sc as plsc

N_NODES = 10000
IN_CH = 128
HID = 128
OUT_CH = 64

NC, NS = 2, 16
NW = NC * NS
CHUNK = 128
ACC_ROWS = 10240
RPT = ACC_ROWS // NS

BM = 2000


def _sc_mesh():
    return plsc.VectorSubcoreMesh(
        core_axis_name="c", subcore_axis_name="s",
        num_cores=NC, num_subcores=NS)


@functools.lru_cache(maxsize=None)
def _make_deg(epad):
    cpt = epad // CHUNK // NW
    cpc = cpt * NS

    @functools.partial(
        pl.kernel,
        out_type=jax.ShapeDtypeStruct((NC, ACC_ROWS), jnp.float32),
        mesh=_sc_mesh(),
        scratch_types=[
            pltpu.VMEM((CHUNK,), jnp.int32),
            pltpu.VMEM((CHUNK,), jnp.float32),
            pltpu.VMEM_SHARED((ACC_ROWS,), jnp.float32),
        ],
    )
    def deg_kernel(dst_hbm, ones_hbm, zeros_hbm, out_hbm, dst_v, ones_v, acc):
        cid = lax.axis_index("c")
        sid = lax.axis_index("s")
        pltpu.sync_copy(ones_hbm, ones_v)
        pltpu.sync_copy(zeros_hbm.at[pl.ds(sid * RPT, RPT)],
                        acc.at[pl.ds(sid * RPT, RPT)])
        plsc.subcore_barrier()
        plsc.subcore_barrier()
        base0 = (cid * cpc + sid * cpt) * CHUNK

        def body(j, carry):
            b = base0 + j * CHUNK
            pltpu.sync_copy(dst_hbm.at[pl.ds(b, CHUNK)], dst_v)
            pltpu.sync_copy(ones_v, acc.at[dst_v], add=True)
            return carry

        lax.fori_loop(0, cpt, body, 0)
        plsc.subcore_barrier()
        plsc.subcore_barrier()
        pltpu.sync_copy(acc.at[pl.ds(sid * RPT, RPT)],
                        out_hbm.at[cid, pl.ds(sid * RPT, RPT)])

    return deg_kernel


@functools.lru_cache(maxsize=None)
def _make_agg(cpt, depth):
    chunks = cpt * NW
    c0 = int(round(0.56 * chunks / NS)) * NS
    cpt0 = c0 // NS
    cpt1 = (chunks - c0) // NS

    @functools.partial(
        pl.kernel,
        out_type=jax.ShapeDtypeStruct((NC, ACC_ROWS, depth), jnp.float32),
        mesh=_sc_mesh(),
        scratch_types=[
            pltpu.VMEM((CHUNK,), jnp.int32),
            pltpu.VMEM((CHUNK,), jnp.int32),
            pltpu.VMEM((CHUNK, depth), jnp.float32),
            pltpu.VMEM_SHARED((ACC_ROWS, depth), jnp.float32),
            pltpu.SemaphoreType.DMA,
        ],
    )
    def agg_kernel(hp_hbm, src_hbm, dst_hbm, zeros_hbm, out_hbm,
                   src_v, dst_v, rows_v, acc, sem):
        cid = lax.axis_index("c")
        sid = lax.axis_index("s")
        pltpu.sync_copy(zeros_hbm.at[pl.ds(sid * RPT, RPT)],
                        acc.at[pl.ds(sid * RPT, RPT)])
        plsc.subcore_barrier()
        plsc.subcore_barrier()
        mycpt = lax.select(cid == 0, cpt0, cpt1)
        base0 = lax.select(cid == 0, sid * cpt0, c0 + sid * cpt1) * CHUNK

        def body(j, carry):
            b = base0 + j * CHUNK
            pltpu.sync_copy(src_hbm.at[pl.ds(b, CHUNK)], src_v)
            pltpu.sync_copy(dst_hbm.at[pl.ds(b, CHUNK)], dst_v)
            pltpu.async_copy(hp_hbm.at[src_v], rows_v, sem).wait()
            pltpu.sync_copy(rows_v, acc.at[dst_v], add=True)
            return carry

        lax.fori_loop(0, mycpt, body, 0)
        plsc.subcore_barrier()
        plsc.subcore_barrier()
        pltpu.sync_copy(acc.at[pl.ds(sid * RPT, RPT)],
                        out_hbm.at[cid, pl.ds(sid * RPT, RPT)])

    return agg_kernel


def _tc1_body(degp_ref, x_ref, w_ref, hp_ref, dinv_ref):
    deg = 1.0 + jnp.sum(degp_ref[...], axis=1, keepdims=True)
    dinv = jnp.where(deg > 0, lax.rsqrt(deg), 0.0)
    h = jnp.dot(x_ref[...], w_ref[...], preferred_element_type=jnp.float32)
    hp_ref[...] = h * dinv
    dinv_ref[...] = dinv


def _tc1(deg_p, x, w1):
    grid = N_NODES // BM
    return pl.pallas_call(
        _tc1_body,
        grid=(grid,),
        in_specs=[
            pl.BlockSpec((BM, NC), lambda i: (i, 0)),
            pl.BlockSpec((BM, IN_CH), lambda i: (i, 0)),
            pl.BlockSpec((IN_CH, HID), lambda i: (0, 0)),
        ],
        out_specs=[
            pl.BlockSpec((BM, HID), lambda i: (i, 0)),
            pl.BlockSpec((BM, 1), lambda i: (i, 0)),
        ],
        out_shape=[
            jax.ShapeDtypeStruct((N_NODES, HID), jnp.float32),
            jax.ShapeDtypeStruct((N_NODES, 1), jnp.float32),
        ],
    )(deg_p, x, w1)


def _tc2_body(s_ref, hp_ref, dinv_ref, b_ref, w_ref, out_ref):
    s = s_ref[0] + s_ref[1] + hp_ref[...]
    dinv = dinv_ref[...]
    h1 = jnp.maximum(s * dinv + b_ref[...], 0.0)
    out_ref[...] = jnp.dot(
        h1, w_ref[...], preferred_element_type=jnp.float32) * dinv


def _tc2(s1, hp1, dinv, b1, w2p):
    grid = N_NODES // BM
    return pl.pallas_call(
        _tc2_body,
        grid=(grid,),
        in_specs=[
            pl.BlockSpec((NC, BM, HID), lambda i: (0, i, 0)),
            pl.BlockSpec((BM, HID), lambda i: (i, 0)),
            pl.BlockSpec((BM, 1), lambda i: (i, 0)),
            pl.BlockSpec((1, HID), lambda i: (0, 0)),
            pl.BlockSpec((HID, HID), lambda i: (0, 0)),
        ],
        out_specs=pl.BlockSpec((BM, HID), lambda i: (i, 0)),
        out_shape=jax.ShapeDtypeStruct((N_NODES, HID), jnp.float32),
    )(s1, hp1, dinv, b1, w2p)


def _tc3_body(s_ref, hp_ref, dinv_ref, b_ref, out_ref):
    s = s_ref[0] + s_ref[1] + hp_ref[...]
    out_ref[...] = jnp.maximum(
        (s * dinv_ref[...])[:, :OUT_CH] + b_ref[...], 0.0)


def _tc3(s2, hp2, dinv, b2):
    grid = N_NODES // BM
    return pl.pallas_call(
        _tc3_body,
        grid=(grid,),
        in_specs=[
            pl.BlockSpec((NC, BM, HID), lambda i: (0, i, 0)),
            pl.BlockSpec((BM, HID), lambda i: (i, 0)),
            pl.BlockSpec((BM, 1), lambda i: (i, 0)),
            pl.BlockSpec((1, OUT_CH), lambda i: (0, 0)),
        ],
        out_specs=pl.BlockSpec((BM, OUT_CH), lambda i: (i, 0)),
        out_shape=jax.ShapeDtypeStruct((N_NODES, OUT_CH), jnp.float32),
    )(s2, hp2, dinv, b2)


@jax.jit
def kernel(x, A, W1, b1, W2, b2):
    x = x.astype(jnp.float32)
    A = A.astype(jnp.int32)
    src, dst = A[0], A[1]
    n_edges = src.shape[0]
    chunks = -(-n_edges // CHUNK)
    chunks = -(-chunks // NW) * NW
    epad = chunks * CHUNK
    cpt = chunks // NW
    pad = epad - n_edges
    srcp = jnp.concatenate([src, jnp.zeros((pad,), jnp.int32)])
    dstp = jnp.concatenate([dst, jnp.full((pad,), ACC_ROWS - 8, jnp.int32)])

    ones_c = jnp.ones((CHUNK,), jnp.float32)
    zeros_1d = jnp.zeros((ACC_ROWS,), jnp.float32)
    deg_p = _make_deg(epad)(dstp, ones_c, zeros_1d)

    hp1, dinv = _tc1(jnp.transpose(deg_p), x, W1)

    zeros_hid = jnp.zeros((ACC_ROWS, HID), jnp.float32)
    s1 = _make_agg(cpt, HID)(hp1, srcp, dstp, zeros_hid)

    w2p = jnp.pad(W2, ((0, 0), (0, HID - OUT_CH)))
    hp2 = _tc2(s1, hp1, dinv, jnp.reshape(b1, (1, HID)), w2p)

    s2 = _make_agg(cpt, HID)(hp2, srcp, dstp, zeros_hid)

    return _tc3(s2, hp2, dinv, jnp.reshape(b2, (1, OUT_CH)))

# --- scband reference (transcript-rebuilt; emitter-appended) ---
"""Pipeline reference for scband-encoder-33148557591076 (READ-ONLY COPY).

The authoritative reference and input builder live on the scoring server;
editing this copy changes nothing except your own understanding.
"""

import jax, jax.numpy as jnp
import numpy as np

N_NODES = 10000
N_EDGES = 320000
IN_CH = 128
OUT_CH = 64
HID = 2 * OUT_CH  # 128


def setup_inputs(seed: int = 0) -> dict:
    key = jax.random.key(seed)
    k1, k2, k3, k4, k5, k6 = jax.random.split(key, 6)
    x = jax.random.normal(k1, (N_NODES, IN_CH), dtype=jnp.float32)
    A = jax.random.randint(k2, (2, N_EDGES), 0, N_NODES, dtype=jnp.int64)
    # GCNConv weights: layer1 in->2*out, layer2 2*out->out
    W1 = jax.random.normal(k3, (IN_CH, HID), dtype=jnp.float32) * (1.0 / np.sqrt(IN_CH))
    b1 = jnp.zeros((HID,), dtype=jnp.float32)
    W2 = jax.random.normal(k4, (HID, OUT_CH), dtype=jnp.float32) * (1.0 / np.sqrt(HID))
    b2 = jnp.zeros((OUT_CH,), dtype=jnp.float32)
    return {"x": x, "A": A, "W1": W1, "b1": b1, "W2": W2, "b2": b2}


def _gcn_conv(x, edge_index, W, b, num_nodes):
    # x' = D^{-1/2} (A + I) D^{-1/2} (x W) + b  (PyG GCNConv semantics)
    h = x @ W
    src = edge_index[0]
    dst = edge_index[1]
    loop = jnp.arange(num_nodes, dtype=src.dtype)
    src = jnp.concatenate([src, loop])
    dst = jnp.concatenate([dst, loop])
    deg = jnp.zeros((num_nodes,), dtype=h.dtype).at[dst].add(1.0)
    deg_inv_sqrt = jnp.where(deg > 0, jax.lax.rsqrt(deg), 0.0)
    norm = deg_inv_sqrt[src] * deg_inv_sqrt[dst]
    msg = h[src] * norm[:, None]
    out = jnp.zeros((num_nodes, h.shape[1]), dtype=h.dtype).at[dst].add(msg)
    return out + b


def reference(x, A, W1, b1, W2, b2):
    n = x.shape[0]
    h = _gcn_conv(x, A, W1, b1, n)
    h = jax.nn.relu(h)
    h = _gcn_conv(h, A, W2, b2, n)
    h = jax.nn.relu(h)
    return h

if __name__ == "__main__":
    import jax
    _d = setup_inputs()
    print(jax.jit(kernel)(*tuple(_d.values())))

</pallas_src>

<mosaic_0001>
#map = affine_map<(d0, d1) -> (0)>
#map1 = affine_map<(d0, d1) -> (0, 0)>
module attributes {stable_mosaic.version = 14 : i64} {
  func.func @deg_kernel(%arg0: i32, %arg1: i32, %arg2: memref<323584xi32, #tpu.memory_space<hbm>>, %arg3: memref<128xf32, #tpu.memory_space<hbm>>, %arg4: memref<10240xf32, #tpu.memory_space<hbm>>, %arg5: memref<2x10240xf32, #tpu.memory_space<hbm>>, %arg6: memref<128xi32, #tpu.memory_space<vmem>>, %arg7: memref<128xf32, #tpu.memory_space<vmem>>, %arg8: memref<10240xf32, #tpu.memory_space<vmem_shared>>) attributes {dimension_semantics = [#tpu.dimension_semantics<core_parallel>, #tpu.dimension_semantics<subcore_parallel>], iteration_bounds = array<i64: 2, 16>, scalar_prefetch = 0 : i64, scratch_operands = 3 : i64, tpu.core_type = #tpu.core_type<sc_vector_subcore>, window_params = [{transform_indices = #map}, {transform_indices = #map}, {transform_indices = #map}, {transform_indices = #map1}]} {
    "tpu.region"() ({
      %run_scoped3A = tpu.sem_alloc : memref<!tpu.dma_semaphore, #tpu.memory_space<semaphore_mem>>
      tpu.enqueue_dma source(%arg3 : memref<128xf32, #tpu.memory_space<hbm>>) target(%arg7 : memref<128xf32, #tpu.memory_space<vmem>>) target_semaphore(%run_scoped3A : memref<!tpu.dma_semaphore, #tpu.memory_space<semaphore_mem>>)
      tpu.wait_dma2 semaphore(%run_scoped3A : memref<!tpu.dma_semaphore, #tpu.memory_space<semaphore_mem>>) src(%arg3 : memref<128xf32, #tpu.memory_space<hbm>>) dst(%arg7 : memref<128xf32, #tpu.memory_space<vmem>>)
      tpu.yield
    }) : () -> ()
    %mul3A = arith.constant 640 : i32
    %mul3A_0 = arith.muli %arg1, %mul3A : i32
    %mul3A_1 = arith.constant 640 : i32
    %mul3A_2 = arith.muli %arg1, %mul3A_1 : i32
    "tpu.region"() ({
      %run_scoped3A = tpu.sem_alloc : memref<!tpu.dma_semaphore, #tpu.memory_space<semaphore_mem>>
      %dma_start3A = tpu.memref_slice %arg8[%mul3A_2] : memref<10240xf32, #tpu.memory_space<vmem_shared>> -> memref<640xf32, #tpu.memory_space<vmem_shared>>
      %dma_start3A_21 = tpu.memref_slice %arg4[%mul3A_0] : memref<10240xf32, #tpu.memory_space<hbm>> -> memref<640xf32, #tpu.memory_space<hbm>>
      tpu.enqueue_dma source(%dma_start3A_21 : memref<640xf32, #tpu.memory_space<hbm>>) target(%dma_start3A : memref<640xf32, #tpu.memory_space<vmem_shared>>) target_semaphore(%run_scoped3A : memref<!tpu.dma_semaphore, #tpu.memory_space<semaphore_mem>>)
      %dma_wait3A = tpu.memref_slice %arg8[%mul3A_2] : memref<10240xf32, #tpu.memory_space<vmem_shared>> -> memref<640xf32, #tpu.memory_space<vmem_shared>>
      %dma_wait3A_22 = tpu.memref_slice %arg4[%mul3A_0] : memref<10240xf32, #tpu.memory_space<hbm>> -> memref<640xf32, #tpu.memory_space<hbm>>
      tpu.wait_dma2 semaphore(%run_scoped3A : memref<!tpu.dma_semaphore, #tpu.memory_space<semaphore_mem>>) src(%dma_wait3A_22 : memref<640xf32, #tpu.memory_space<hbm>>) dst(%dma_wait3A : memref<640xf32, #tpu.memory_space<vmem_shared>>)
      tpu.yield
    }) : () -> ()
    %barrier3A = arith.constant 0 : index
    tpu.barrier barrier_id(%barrier3A)
    %barrier3A_3 = arith.constant 0 : index
    tpu.barrier barrier_id(%barrier3A_3)
    %mul3A_4 = arith.constant 1264 : i32
    %mul3A_5 = arith.muli %arg0, %mul3A_4 : i32
    %mul3A_6 = arith.constant 79 : i32
    %mul3A_7 = arith.muli %arg1, %mul3A_6 : i32
    %add3A = arith.addi %mul3A_5, %mul3A_7 : i32
    %mul3A_8 = arith.constant 128 : i32
    %mul3A_9 = arith.muli %add3A, %mul3A_8 : i32
    %scan3A = arith.constant 0 : i32
    %scan3A_10 = arith.constant 0 : i32
    %scan3A_11 = arith.constant 79 : i32
    %scan3A_12 = arith.addi %scan3A_10, %scan3A_11 : i32
    %scan3A_13 = arith.constant 1 : i32
    scf.for %scan3A_21 = %scan3A_10 to %scan3A_12 step %scan3A_13  : i32 {
      %mul3A_22 = arith.constant 128 : i32
      %mul3A_23 = arith.muli %scan3A_21, %mul3A_22 : i32
      %add3A_24 = arith.addi %mul3A_9, %mul3A_23 : i32
      "tpu.region"() ({
        %run_scoped3A = tpu.sem_alloc : memref<!tpu.dma_semaphore, #tpu.memory_space<semaphore_mem>>
        %dma_start3A = tpu.memref_slice %arg2[%add3A_24] : memref<323584xi32, #tpu.memory_space<hbm>> -> memref<128xi32, #tpu.memory_space<hbm>>
        %dma_start3A_25 = tpu.memref_slice %arg2[%add3A_24] : memref<323584xi32, #tpu.memory_space<hbm>> -> memref<128xi32, #tpu.memory_space<hbm>>
        tpu.enqueue_dma source(%dma_start3A_25 : memref<128xi32, #tpu.memory_space<hbm>>) target(%arg6 : memref<128xi32, #tpu.memory_space<vmem>>) target_semaphore(%run_scoped3A : memref<!tpu.dma_semaphore, #tpu.memory_space<semaphore_mem>>)
        %dma_wait3A = tpu.memref_slice %arg2[%add3A_24] : memref<323584xi32, #tpu.memory_space<hbm>> -> memref<128xi32, #tpu.memory_space<hbm>>
        %dma_wait3A_26 = tpu.memref_slice %arg2[%add3A_24] : memref<323584xi32, #tpu.memory_space<hbm>> -> memref<128xi32, #tpu.memory_space<hbm>>
        tpu.wait_dma2 semaphore(%run_scoped3A : memref<!tpu.dma_semaphore, #tpu.memory_space<semaphore_mem>>) src(%dma_wait3A_26 : memref<128xi32, #tpu.memory_space<hbm>>) dst(%arg6 : memref<128xi32, #tpu.memory_space<vmem>>)
        tpu.yield
      }) : () -> ()
      "tpu.region"() ({
        %run_scoped3A = tpu.sem_alloc : memref<!tpu.dma_semaphore, #tpu.memory_space<semaphore_mem>>
        %dma_start3A = arith.constant 0 : i32
        %dma_start3A_25 = tpu.memref_slice %arg8[%dma_start3A] : memref<10240xf32, #tpu.memory_space<vmem_shared>> -> memref<10240xf32, #tpu.memory_space<vmem_shared>>
        tpu.enqueue_indirect_dma source(%arg7 : memref<128xf32, #tpu.memory_space<vmem>>) target(%dma_start3A_25 : memref<10240xf32, #tpu.memory_space<vmem_shared>>) offsets(%arg6 : memref<128xi32, #tpu.memory_space<vmem>>) semaphore(%run_scoped3A : memref<!tpu.dma_semaphore, #tpu.memory_space<semaphore_mem>>) {add = true}
        %dma_wait3A = arith.constant 0 : i32
        %dma_wait3A_26 = tpu.memref_slice %arg8[%dma_wait3A] : memref<10240xf32, #tpu.memory_space<vmem_shared>> -> memref<10240xf32, #tpu.memory_space<vmem_shared>>
        tpu.wait_indirect_dma semaphore(%run_scoped3A : memref<!tpu.dma_semaphore, #tpu.memory_space<semaphore_mem>>) src(%arg7 : memref<128xf32, #tpu.memory_space<vmem>>) dst(%dma_wait3A_26 : memref<10240xf32, #tpu.memory_space<vmem_shared>>)
        tpu.yield
      }) : () -> ()
    }
    %scan3A_14 = arith.constant 79 : i32
    %barrier3A_15 = arith.constant 0 : index
    tpu.barrier barrier_id(%barrier3A_15)
    %barrier3A_16 = arith.constant 0 : index
    tpu.barrier barrier_id(%barrier3A_16)
    %mul3A_17 = arith.constant 640 : i32
    %mul3A_18 = arith.muli %arg1, %mul3A_17 : i32
    %mul3A_19 = arith.constant 640 : i32
    %mul3A_20 = arith.muli %arg1, %mul3A_19 : i32
    "tpu.region"() ({
      %run_scoped3A = tpu.sem_alloc : memref<!tpu.dma_semaphore, #tpu.memory_space<semaphore_mem>>
      %dma_start3A = tpu.memref_slice %arg5[%arg0, %mul3A_20] : memref<2x10240xf32, #tpu.memory_space<hbm>> -> memref<1x640xf32, #tpu.memory_space<hbm>>
      %dma_start3A_21 = tpu.memref_squeeze %dma_start3A : memref<1x640xf32, #tpu.memory_space<hbm>> -> memref<640xf32, #tpu.memory_space<hbm>>
      %dma_start3A_22 = tpu.memref_slice %arg8[%mul3A_18] : memref<10240xf32, #tpu.memory_space<vmem_shared>> -> memref<640xf32, #tpu.memory_space<vmem_shared>>
      tpu.enqueue_dma source(%dma_start3A_22 : memref<640xf32, #tpu.memory_space<vmem_shared>>) target(%dma_start3A_21 : memref<640xf32, #tpu.memory_space<hbm>>) target_semaphore(%run_scoped3A : memref<!tpu.dma_semaphore, #tpu.memory_space<semaphore_mem>>)
      %dma_wait3A = tpu.memref_slice %arg5[%arg0, %mul3A_20] : memref<2x10240xf32, #tpu.memory_space<hbm>> -> memref<1x640xf32, #tpu.memory_space<hbm>>
      %dma_wait3A_23 = tpu.memref_squeeze %dma_wait3A : memref<1x640xf32, #tpu.memory_space<hbm>> -> memref<640xf32, #tpu.memory_space<hbm>>
      %dma_wait3A_24 = tpu.memref_slice %arg8[%mul3A_18] : memref<10240xf32, #tpu.memory_space<vmem_shared>> -> memref<640xf32, #tpu.memory_space<vmem_shared>>
      tpu.wait_dma2 semaphore(%run_scoped3A : memref<!tpu.dma_semaphore, #tpu.memory_space<semaphore_mem>>) src(%dma_wait3A_24 : memref<640xf32, #tpu.memory_space<vmem_shared>>) dst(%dma_wait3A_23 : memref<640xf32, #tpu.memory_space<hbm>>)
      tpu.yield
    }) : () -> ()
    return
  }
}

#map = affine_map<(d0, d1) -> (0, 0)>
#map1 = affine_map<(d0, d1) -> (0)>
#map2 = affine_map<(d0, d1) -> (0, 0, 0)>
module attributes {stable_mosaic.version = 14 : i64} {
  func.func @agg_kernel(%arg0: i32, %arg1: i32, %arg2: memref<10000x128xf32, #tpu.memory_space<hbm>>, %arg3: memref<323584xi32, #tpu.memory_space<hbm>>, %arg4: memref<323584xi32, #tpu.memory_space<hbm>>, %arg5: memref<10240x128xf32, #tpu.memory_space<hbm>>, %arg6: memref<2x10240x128xf32, #tpu.memory_space<hbm>>, %arg7: memref<128xi32, #tpu.memory_space<vmem>>, %arg8: memref<128xi32, #tpu.memory_space<vmem>>, %arg9: memref<128x128xf32, #tpu.memory_space<vmem>>, %arg10: memref<10240x128xf32, #tpu.memory_space<vmem_shared>>, %arg11: memref<!tpu.dma_semaphore, #tpu.memory_space<semaphore_mem>>) attributes {dimension_semantics = [#tpu.dimension_semantics<core_parallel>, #tpu.dimension_semantics<subcore_parallel>], iteration_bounds = array<i64: 2, 16>, scalar_prefetch = 0 : i64, scratch_operands = 5 : i64, tpu.core_type = #tpu.core_type<sc_vector_subcore>, window_params = [{transform_indices = #map}, {transform_indices = #map1}, {transform_indices = #map1}, {transform_indices = #map}, {transform_indices = #map2}]} {
    %mul3A = arith.constant 640 : i32
    %mul3A_0 = arith.muli %arg1, %mul3A : i32
    %mul3A_1 = arith.constant 640 : i32
    %mul3A_2 = arith.muli %arg1, %mul3A_1 : i32
    "tpu.region"() ({
      %run_scoped3A = tpu.sem_alloc : memref<!tpu.dma_semaphore, #tpu.memory_space<semaphore_mem>>
      %dma_start3A = arith.constant 0 : i32
      %dma_start3A_32 = tpu.memref_slice %arg10[%mul3A_2, %dma_start3A] : memref<10240x128xf32, #tpu.memory_space<vmem_shared>> -> memref<640x128xf32, #tpu.memory_space<vmem_shared>>
      %dma_start3A_33 = arith.constant 0 : i32
      %dma_start3A_34 = tpu.memref_slice %arg5[%mul3A_0, %dma_start3A_33] : memref<10240x128xf32, #tpu.memory_space<hbm>> -> memref<640x128xf32, #tpu.memory_space<hbm>>
      tpu.enqueue_dma source(%dma_start3A_34 : memref<640x128xf32, #tpu.memory_space<hbm>>) target(%dma_start3A_32 : memref<640x128xf32, #tpu.memory_space<vmem_shared>>) target_semaphore(%run_scoped3A : memref<!tpu.dma_semaphore, #tpu.memory_space<semaphore_mem>>)
      %dma_wait3A = arith.constant 0 : i32
      %dma_wait3A_35 = tpu.memref_slice %arg10[%mul3A_2, %dma_wait3A] : memref<10240x128xf32, #tpu.memory_space<vmem_shared>> -> memref<640x128xf32, #tpu.memory_space<vmem_shared>>
      %dma_wait3A_36 = arith.constant 0 : i32
      %dma_wait3A_37 = tpu.memref_slice %arg5[%mul3A_0, %dma_wait3A_36] : memref<10240x128xf32, #tpu.memory_space<hbm>> -> memref<640x128xf32, #tpu.memory_space<hbm>>
      tpu.wait_dma2 semaphore(%run_scoped3A : memref<!tpu.dma_semaphore, #tpu.memory_space<semaphore_mem>>) src(%dma_wait3A_37 : memref<640x128xf32, #tpu.memory_space<hbm>>) dst(%dma_wait3A_35 : memref<640x128xf32, #tpu.memory_space<vmem_shared>>)
      tpu.yield
    }) : () -> ()
    %barrier3A = arith.constant 0 : index
    tpu.barrier barrier_id(%barrier3A)
    %barrier3A_3 = arith.constant 0 : index
    tpu.barrier barrier_id(%barrier3A_3)
    %eq3A = arith.constant 0 : i32
    %eq3A_4 = arith.cmpi eq, %arg0, %eq3A : i32
    %select_n3A = arith.constant 70 : i32
    %select_n3A_5 = arith.constant 88 : i32
    %select_n3A_6 = arith.select %eq3A_4, %select_n3A_5, %select_n3A : i32
    %eq3A_7 = arith.constant 0 : i32
    %eq3A_8 = arith.cmpi eq, %arg0, %eq3A_7 : i32
    %mul3A_9 = arith.constant 88 : i32
    %mul3A_10 = arith.muli %arg1, %mul3A_9 : i32
    %mul3A_11 = arith.constant 70 : i32
    %mul3A_12 = arith.muli %arg1, %mul3A_11 : i32
    %add3A = arith.constant 1408 : i32
    %add3A_13 = arith.addi %add3A, %mul3A_12 : i32
    %select_n3A_14 = arith.select %eq3A_8, %mul3A_10, %add3A_13 : i32
    %mul3A_15 = arith.constant 128 : i32
    %mul3A_16 = arith.muli %select_n3A_14, %mul3A_15 : i32
    %while3A = arith.constant 0 : i32
    %while3A_17 = arith.constant 0 : i32
    %while3A_18 = arith.subi %select_n3A_6, %while3A_17 : i32
    %while3A_19 = arith.addi %while3A_17, %while3A_18 : i32
    %while3A_20 = arith.constant 1 : i32
    %while3A_21 = arith.divsi %while3A_18, %while3A_20 : i32
    %while3A_22 = arith.muli %while3A_21, %while3A_20 : i32
    %while3A_23 = arith.addi %while3A_17, %while3A_22 : i32
    %while3A_24 = arith.constant 1 : i32
    scf.for %while3A_32 = %while3A_17 to %while3A_23 step %while3A_24  : i32 {
      %mul3A_33 = arith.constant 128 : i32
      %mul3A_34 = arith.muli %while3A_32, %mul3A_33 : i32
      %add3A_35 = arith.addi %mul3A_16, %mul3A_34 : i32
      "tpu.region"() ({
        %run_scoped3A = tpu.sem_alloc : memref<!tpu.dma_semaphore, #tpu.memory_space<semaphore_mem>>
        %dma_start3A_40 = tpu.memref_slice %arg3[%add3A_35] : memref<323584xi32, #tpu.memory_space<hbm>> -> memref<128xi32, #tpu.memory_space<hbm>>
        %dma_start3A_41 = tpu.memref_slice %arg3[%add3A_35] : memref<323584xi32, #tpu.memory_space<hbm>> -> memref<128xi32, #tpu.memory_space<hbm>>
        tpu.enqueue_dma source(%dma_start3A_41 : memref<128xi32, #tpu.memory_space<hbm>>) target(%arg7 : memref<128xi32, #tpu.memory_space<vmem>>) target_semaphore(%run_scoped3A : memref<!tpu.dma_semaphore, #tpu.memory_space<semaphore_mem>>)
        %dma_wait3A_42 = tpu.memref_slice %arg3[%add3A_35] : memref<323584xi32, #tpu.memory_space<hbm>> -> memref<128xi32, #tpu.memory_space<hbm>>
        %dma_wait3A_43 = tpu.memref_slice %arg3[%add3A_35] : memref<323584xi32, #tpu.memory_space<hbm>> -> memref<128xi32, #tpu.memory_space<hbm>>
        tpu.wait_dma2 semaphore(%run_scoped3A : memref<!tpu.dma_semaphore, #tpu.memory_space<semaphore_mem>>) src(%dma_wait3A_43 : memref<128xi32, #tpu.memory_space<hbm>>) dst(%arg7 : memref<128xi32, #tpu.memory_space<vmem>>)
        tpu.yield
      }) : () -> ()
      "tpu.region"() ({
        %run_scoped3A = tpu.sem_alloc : memref<!tpu.dma_semaphore, #tpu.memory_space<semaphore_mem>>
        %dma_start3A_40 = tpu.memref_slice %arg4[%add3A_35] : memref<323584xi32, #tpu.memory_space<hbm>> -> memref<128xi32, #tpu.memory_space<hbm>>
        %dma_start3A_41 = tpu.memref_slice %arg4[%add3A_35] : memref<323584xi32, #tpu.memory_space<hbm>> -> memref<128xi32, #tpu.memory_space<hbm>>
        tpu.enqueue_dma source(%dma_start3A_41 : memref<128xi32, #tpu.memory_space<hbm>>) target(%arg8 : memref<128xi32, #tpu.memory_space<vmem>>) target_semaphore(%run_scoped3A : memref<!tpu.dma_semaphore, #tpu.memory_space<semaphore_mem>>)
        %dma_wait3A_42 = tpu.memref_slice %arg4[%add3A_35] : memref<323584xi32, #tpu.memory_space<hbm>> -> memref<128xi32, #tpu.memory_space<hbm>>
        %dma_wait3A_43 = tpu.memref_slice %arg4[%add3A_35] : memref<323584xi32, #tpu.memory_space<hbm>> -> memref<128xi32, #tpu.memory_space<hbm>>
        tpu.wait_dma2 semaphore(%run_scoped3A : memref<!tpu.dma_semaphore, #tpu.memory_space<semaphore_mem>>) src(%dma_wait3A_43 : memref<128xi32, #tpu.memory_space<hbm>>) dst(%arg8 : memref<128xi32, #tpu.memory_space<vmem>>)
        tpu.yield
      }) : () -> ()
      %dma_start3A = arith.constant 0 : i32
      %dma_start3A_36 = arith.constant 0 : i32
      %dma_start3A_37 = tpu.memref_slice %arg2[%dma_start3A, %dma_start3A_36] : memref<10000x128xf32, #tpu.memory_space<hbm>> -> memref<10000x128xf32, #tpu.memory_space<hbm>>
      tpu.enqueue_indirect_dma source(%dma_start3A_37 : memref<10000x128xf32, #tpu.memory_space<hbm>>) target(%arg9 : memref<128x128xf32, #tpu.memory_space<vmem>>) offsets(%arg7 : memref<128xi32, #tpu.memory_space<vmem>>) semaphore(%arg11 : memref<!tpu.dma_semaphore, #tpu.memory_space<semaphore_mem>>)
      %dma_wait3A = arith.constant 0 : i32
      %dma_wait3A_38 = arith.constant 0 : i32
      %dma_wait3A_39 = tpu.memref_slice %arg2[%dma_wait3A, %dma_wait3A_38] : memref<10000x128xf32, #tpu.memory_space<hbm>> -> memref<10000x128xf32, #tpu.memory_space<hbm>>
      tpu.wait_indirect_dma semaphore(%arg11 : memref<!tpu.dma_semaphore, #tpu.memory_space<semaphore_mem>>) src(%dma_wait3A_39 : memref<10000x128xf32, #tpu.memory_space<hbm>>) dst(%arg9 : memref<128x128xf32, #tpu.memory_space<vmem>>)
      "tpu.region"() ({
        %run_scoped3A = tpu.sem_alloc : memref<!tpu.dma_semaphore, #tpu.memory_space<semaphore_mem>>
        %dma_start3A_40 = arith.constant 0 : i32
        %dma_start3A_41 = arith.constant 0 : i32
        %dma_start3A_42 = tpu.memref_slice %arg10[%dma_start3A_40, %dma_start3A_41] : memref<10240x128xf32, #tpu.memory_space<vmem_shared>> -> memref<10240x128xf32, #tpu.memory_space<vmem_shared>>
        tpu.enqueue_indirect_dma source(%arg9 : memref<128x128xf32, #tpu.memory_space<vmem>>) target(%dma_start3A_42 : memref<10240x128xf32, #tpu.memory_space<vmem_shared>>) offsets(%arg8 : memref<128xi32, #tpu.memory_space<vmem>>) semaphore(%run_scoped3A : memref<!tpu.dma_semaphore, #tpu.memory_space<semaphore_mem>>) {add = true}
        %dma_wait3A_43 = arith.constant 0 : i32
        %dma_wait3A_44 = arith.constant 0 : i32
        %dma_wait3A_45 = tpu.memref_slice %arg10[%dma_wait3A_43, %dma_wait3A_44] : memref<10240x128xf32, #tpu.memory_space<vmem_shared>> -> memref<10240x128xf32, #tpu.memory_space<vmem_shared>>
        tpu.wait_indirect_dma semaphore(%run_scoped3A : memref<!tpu.dma_semaphore, #tpu.memory_space<semaphore_mem>>) src(%arg9 : memref<128x128xf32, #tpu.memory_space<vmem>>) dst(%dma_wait3A_45 : memref<10240x128xf32, #tpu.memory_space<vmem_shared>>)
        tpu.yield
      }) : () -> ()
    }
    %while3A_25 = arith.constant 1 : i32
    scf.for %while3A_32 = %while3A_23 to %while3A_19 step %while3A_25  : i32 {
      %mul3A_33 = arith.constant 128 : i32
      %mul3A_34 = arith.muli %while3A_32, %mul3A_33 : i32
      %add3A_35 = arith.addi %mul3A_16, %mul3A_34 : i32
      "tpu.region"() ({
        %run_scoped3A = tpu.sem_alloc : memref<!tpu.dma_semaphore, #tpu.memory_space<semaphore_mem>>
        %dma_start3A_40 = tpu.memref_slice %arg3[%add3A_35] : memref<323584xi32, #tpu.memory_space<hbm>> -> memref<128xi32, #tpu.memory_space<hbm>>
        %dma_start3A_41 = tpu.memref_slice %arg3[%add3A_35] : memref<323584xi32, #tpu.memory_space<hbm>> -> memref<128xi32, #tpu.memory_space<hbm>>
        tpu.enqueue_dma source(%dma_start3A_41 : memref<128xi32, #tpu.memory_space<hbm>>) target(%arg7 : memref<128xi32, #tpu.memory_space<vmem>>) target_semaphore(%run_scoped3A : memref<!tpu.dma_semaphore, #tpu.memory_space<semaphore_mem>>)
        %dma_wait3A_42 = tpu.memref_slice %arg3[%add3A_35] : memref<323584xi32, #tpu.memory_space<hbm>> -> memref<128xi32, #tpu.memory_space<hbm>>
        %dma_wait3A_43 = tpu.memref_slice %arg3[%add3A_35] : memref<323584xi32, #tpu.memory_space<hbm>> -> memref<128xi32, #tpu.memory_space<hbm>>
        tpu.wait_dma2 semaphore(%run_scoped3A : memref<!tpu.dma_semaphore, #tpu.memory_space<semaphore_mem>>) src(%dma_wait3A_43 : memref<128xi32, #tpu.memory_space<hbm>>) dst(%arg7 : memref<128xi32, #tpu.memory_space<vmem>>)
        tpu.yield
      }) : () -> ()
      "tpu.region"() ({
        %run_scoped3A = tpu.sem_alloc : memref<!tpu.dma_semaphore, #tpu.memory_space<semaphore_mem>>
        %dma_start3A_40 = tpu.memref_slice %arg4[%add3A_35] : memref<323584xi32, #tpu.memory_space<hbm>> -> memref<128xi32, #tpu.memory_space<hbm>>
        %dma_start3A_41 = tpu.memref_slice %arg4[%add3A_35] : memref<323584xi32, #tpu.memory_space<hbm>> -> memref<128xi32, #tpu.memory_space<hbm>>
        tpu.enqueue_dma source(%dma_start3A_41 : memref<128xi32, #tpu.memory_space<hbm>>) target(%arg8 : memref<128xi32, #tpu.memory_space<vmem>>) target_semaphore(%run_scoped3A : memref<!tpu.dma_semaphore, #tpu.memory_space<semaphore_mem>>)
        %dma_wait3A_42 = tpu.memref_slice %arg4[%add3A_35] : memref<323584xi32, #tpu.memory_space<hbm>> -> memref<128xi32, #tpu.memory_space<hbm>>
        %dma_wait3A_43 = tpu.memref_slice %arg4[%add3A_35] : memref<323584xi32, #tpu.memory_space<hbm>> -> memref<128xi32, #tpu.memory_space<hbm>>
        tpu.wait_dma2 semaphore(%run_scoped3A : memref<!tpu.dma_semaphore, #tpu.memory_space<semaphore_mem>>) src(%dma_wait3A_43 : memref<128xi32, #tpu.memory_space<hbm>>) dst(%arg8 : memref<128xi32, #tpu.memory_space<vmem>>)
        tpu.yield
      }) : () -> ()
      %dma_start3A = arith.constant 0 : i32
      %dma_start3A_36 = arith.constant 0 : i32
      %dma_start3A_37 = tpu.memref_slice %arg2[%dma_start3A, %dma_start3A_36] : memref<10000x128xf32, #tpu.memory_space<hbm>> -> memref<10000x128xf32, #tpu.memory_space<hbm>>
      tpu.enqueue_indirect_dma source(%dma_start3A_37 : memref<10000x128xf32, #tpu.memory_space<hbm>>) target(%arg9 : memref<128x128xf32, #tpu.memory_space<vmem>>) offsets(%arg7 : memref<128xi32, #tpu.memory_space<vmem>>) semaphore(%arg11 : memref<!tpu.dma_semaphore, #tpu.memory_space<semaphore_mem>>)
      %dma_wait3A = arith.constant 0 : i32
      %dma_wait3A_38 = arith.constant 0 : i32
      %dma_wait3A_39 = tpu.memref_slice %arg2[%dma_wait3A, %dma_wait3A_38] : memref<10000x128xf32, #tpu.memory_space<hbm>> -> memref<10000x128xf32, #tpu.memory_space<hbm>>
      tpu.wait_indirect_dma semaphore(%arg11 : memref<!tpu.dma_semaphore, #tpu.memory_space<semaphore_mem>>) src(%dma_wait3A_39 : memref<10000x128xf32, #tpu.memory_space<hbm>>) dst(%arg9 : memref<128x128xf32, #tpu.memory_space<vmem>>)
      "tpu.region"() ({
        %run_scoped3A = tpu.sem_alloc : memref<!tpu.dma_semaphore, #tpu.memory_space<semaphore_mem>>
        %dma_start3A_40 = arith.constant 0 : i32
        %dma_start3A_41 = arith.constant 0 : i32
        %dma_start3A_42 = tpu.memref_slice %arg10[%dma_start3A_40, %dma_start3A_41] : memref<10240x128xf32, #tpu.memory_space<vmem_shared>> -> memref<10240x128xf32, #tpu.memory_space<vmem_shared>>
        tpu.enqueue_indirect_dma source(%arg9 : memref<128x128xf32, #tpu.memory_space<vmem>>) target(%dma_start3A_42 : memref<10240x128xf32, #tpu.memory_space<vmem_shared>>) offsets(%arg8 : memref<128xi32, #tpu.memory_space<vmem>>) semaphore(%run_scoped3A : memref<!tpu.dma_semaphore, #tpu.memory_space<semaphore_mem>>) {add = true}
        %dma_wait3A_43 = arith.constant 0 : i32
        %dma_wait3A_44 = arith.constant 0 : i32
        %dma_wait3A_45 = tpu.memref_slice %arg10[%dma_wait3A_43, %dma_wait3A_44] : memref<10240x128xf32, #tpu.memory_space<vmem_shared>> -> memref<10240x128xf32, #tpu.memory_space<vmem_shared>>
        tpu.wait_indirect_dma semaphore(%run_scoped3A : memref<!tpu.dma_semaphore, #tpu.memory_space<semaphore_mem>>) src(%arg9 : memref<128x128xf32, #tpu.memory_space<vmem>>) dst(%dma_wait3A_45 : memref<10240x128xf32, #tpu.memory_space<vmem_shared>>)
        tpu.yield
      }) : () -> ()
    }
    %barrier3A_26 = arith.constant 0 : index
    tpu.barrier barrier_id(%barrier3A_26)
    %barrier3A_27 = arith.constant 0 : index
    tpu.barrier barrier_id(%barrier3A_27)
    %mul3A_28 = arith.constant 640 : i32
    %mul3A_29 = arith.muli %arg1, %mul3A_28 : i32
    %mul3A_30 = arith.constant 640 : i32
    %mul3A_31 = arith.muli %arg1, %mul3A_30 : i32
    "tpu.region"() ({
      %run_scoped3A = tpu.sem_alloc : memref<!tpu.dma_semaphore, #tpu.memory_space<semaphore_mem>>
      %dma_start3A = arith.constant 0 : i32
      %dma_start3A_32 = tpu.memref_slice %arg6[%arg0, %mul3A_31, %dma_start3A] : memref<2x10240x128xf32, #tpu.memory_space<hbm>> -> memref<1x640x128xf32, #tpu.memory_space<hbm>>
      %dma_start3A_33 = tpu.memref_squeeze %dma_start3A_32 : memref<1x640x128xf32, #tpu.memory_space<hbm>> -> memref<640x128xf32, #tpu.memory_space<hbm>>
      %dma_start3A_34 = arith.constant 0 : i32
      %dma_start3A_35 = tpu.memref_slice %arg10[%mul3A_29, %dma_start3A_34] : memref<10240x128xf32, #tpu.memory_space<vmem_shared>> -> memref<640x128xf32, #tpu.memory_space<vmem_shared>>
      tpu.enqueue_dma source(%dma_start3A_35 : memref<640x128xf32, #tpu.memory_space<vmem_shared>>) target(%dma_start3A_33 : memref<640x128xf32, #tpu.memory_space<hbm>>) target_semaphore(%run_scoped3A : memref<!tpu.dma_semaphore, #tpu.memory_space<semaphore_mem>>)
      %dma_wait3A = arith.constant 0 : i32
      %dma_wait3A_36 = tpu.memref_slice %arg6[%arg0, %mul3A_31, %dma_wait3A] : memref<2x10240x128xf32, #tpu.memory_space<hbm>> -> memref<1x640x128xf32, #tpu.memory_space<hbm>>
      %dma_wait3A_37 = tpu.memref_squeeze %dma_wait3A_36 : memref<1x640x128xf32, #tpu.memory_space<hbm>> -> memref<640x128xf32, #tpu.memory_space<hbm>>
      %dma_wait3A_38 = arith.constant 0 : i32
      %dma_wait3A_39 = tpu.memref_slice %arg10[%mul3A_29, %dma_wait3A_38] : memref<10240x128xf32, #tpu.memory_space<vmem_shared>> -> memref<640x128xf32, #tpu.memory_space<vmem_shared>>
      tpu.wait_dma2 semaphore(%run_scoped3A : memref<!tpu.dma_semaphore, #tpu.memory_space<semaphore_mem>>) src(%dma_wait3A_39 : memref<640x128xf32, #tpu.memory_space<vmem_shared>>) dst(%dma_wait3A_37 : memref<640x128xf32, #tpu.memory_space<hbm>>)
      tpu.yield
    }) : () -> ()
    return
  }
}

#map = affine_map<(d0, d1) -> (0, 0)>
#map1 = affine_map<(d0, d1) -> (0)>
#map2 = affine_map<(d0, d1) -> (0, 0, 0)>
module attributes {stable_mosaic.version = 14 : i64} {
  func.func @agg_kernel(%arg0: i32, %arg1: i32, %arg2: memref<10000x128xf32, #tpu.memory_space<hbm>>, %arg3: memref<323584xi32, #tpu.memory_space<hbm>>, %arg4: memref<323584xi32, #tpu.memory_space<hbm>>, %arg5: memref<10240x128xf32, #tpu.memory_space<hbm>>, %arg6: memref<2x10240x128xf32, #tpu.memory_space<hbm>>, %arg7: memref<128xi32, #tpu.memory_space<vmem>>, %arg8: memref<128xi32, #tpu.memory_space<vmem>>, %arg9: memref<128x128xf32, #tpu.memory_space<vmem>>, %arg10: memref<10240x128xf32, #tpu.memory_space<vmem_shared>>, %arg11: memref<!tpu.dma_semaphore, #tpu.memory_space<semaphore_mem>>) attributes {dimension_semantics = [#tpu.dimension_semantics<core_parallel>, #tpu.dimension_semantics<subcore_parallel>], iteration_bounds = array<i64: 2, 16>, scalar_prefetch = 0 : i64, scratch_operands = 5 : i64, tpu.core_type = #tpu.core_type<sc_vector_subcore>, window_params = [{transform_indices = #map}, {transform_indices = #map1}, {transform_indices = #map1}, {transform_indices = #map}, {transform_indices = #map2}]} {
    %mul3A = arith.constant 640 : i32
    %mul3A_0 = arith.muli %arg1, %mul3A : i32
    %mul3A_1 = arith.constant 640 : i32
    %mul3A_2 = arith.muli %arg1, %mul3A_1 : i32
    "tpu.region"() ({
      %run_scoped3A = tpu.sem_alloc : memref<!tpu.dma_semaphore, #tpu.memory_space<semaphore_mem>>
      %dma_start3A = arith.constant 0 : i32
      %dma_start3A_32 = tpu.memref_slice %arg10[%mul3A_2, %dma_start3A] : memref<10240x128xf32, #tpu.memory_space<vmem_shared>> -> memref<640x128xf32, #tpu.memory_space<vmem_shared>>
      %dma_start3A_33 = arith.constant 0 : i32
      %dma_start3A_34 = tpu.memref_slice %arg5[%mul3A_0, %dma_start3A_33] : memref<10240x128xf32, #tpu.memory_space<hbm>> -> memref<640x128xf32, #tpu.memory_space<hbm>>
      tpu.enqueue_dma source(%dma_start3A_34 : memref<640x128xf32, #tpu.memory_space<hbm>>) target(%dma_start3A_32 : memref<640x128xf32, #tpu.memory_space<vmem_shared>>) target_semaphore(%run_scoped3A : memref<!tpu.dma_semaphore, #tpu.memory_space<semaphore_mem>>)
      %dma_wait3A = arith.constant 0 : i32
      %dma_wait3A_35 = tpu.memref_slice %arg10[%mul3A_2, %dma_wait3A] : memref<10240x128xf32, #tpu.memory_space<vmem_shared>> -> memref<640x128xf32, #tpu.memory_space<vmem_shared>>
      %dma_wait3A_36 = arith.constant 0 : i32
      %dma_wait3A_37 = tpu.memref_slice %arg5[%mul3A_0, %dma_wait3A_36] : memref<10240x128xf32, #tpu.memory_space<hbm>> -> memref<640x128xf32, #tpu.memory_space<hbm>>
      tpu.wait_dma2 semaphore(%run_scoped3A : memref<!tpu.dma_semaphore, #tpu.memory_space<semaphore_mem>>) src(%dma_wait3A_37 : memref<640x128xf32, #tpu.memory_space<hbm>>) dst(%dma_wait3A_35 : memref<640x128xf32, #tpu.memory_space<vmem_shared>>)
      tpu.yield
    }) : () -> ()
    %barrier3A = arith.constant 0 : index
    tpu.barrier barrier_id(%barrier3A)
    %barrier3A_3 = arith.constant 0 : index
    tpu.barrier barrier_id(%barrier3A_3)
    %eq3A = arith.constant 0 : i32
    %eq3A_4 = arith.cmpi eq, %arg0, %eq3A : i32
    %select_n3A = arith.constant 70 : i32
    %select_n3A_5 = arith.constant 88 : i32
    %select_n3A_6 = arith.select %eq3A_4, %select_n3A_5, %select_n3A : i32
    %eq3A_7 = arith.constant 0 : i32
    %eq3A_8 = arith.cmpi eq, %arg0, %eq3A_7 : i32
    %mul3A_9 = arith.constant 88 : i32
    %mul3A_10 = arith.muli %arg1, %mul3A_9 : i32
    %mul3A_11 = arith.constant 70 : i32
    %mul3A_12 = arith.muli %arg1, %mul3A_11 : i32
    %add3A = arith.constant 1408 : i32
    %add3A_13 = arith.addi %add3A, %mul3A_12 : i32
    %select_n3A_14 = arith.select %eq3A_8, %mul3A_10, %add3A_13 : i32
    %mul3A_15 = arith.constant 128 : i32
    %mul3A_16 = arith.muli %select_n3A_14, %mul3A_15 : i32
    %while3A = arith.constant 0 : i32
    %while3A_17 = arith.constant 0 : i32
    %while3A_18 = arith.subi %select_n3A_6, %while3A_17 : i32
    %while3A_19 = arith.addi %while3A_17, %while3A_18 : i32
    %while3A_20 = arith.constant 1 : i32
    %while3A_21 = arith.divsi %while3A_18, %while3A_20 : i32
    %while3A_22 = arith.muli %while3A_21, %while3A_20 : i32
    %while3A_23 = arith.addi %while3A_17, %while3A_22 : i32
    %while3A_24 = arith.constant 1 : i32
    scf.for %while3A_32 = %while3A_17 to %while3A_23 step %while3A_24  : i32 {
      %mul3A_33 = arith.constant 128 : i32
      %mul3A_34 = arith.muli %while3A_32, %mul3A_33 : i32
      %add3A_35 = arith.addi %mul3A_16, %mul3A_34 : i32
      "tpu.region"() ({
        %run_scoped3A = tpu.sem_alloc : memref<!tpu.dma_semaphore, #tpu.memory_space<semaphore_mem>>
        %dma_start3A_40 = tpu.memref_slice %arg3[%add3A_35] : memref<323584xi32, #tpu.memory_space<hbm>> -> memref<128xi32, #tpu.memory_space<hbm>>
        %dma_start3A_41 = tpu.memref_slice %arg3[%add3A_35] : memref<323584xi32, #tpu.memory_space<hbm>> -> memref<128xi32, #tpu.memory_space<hbm>>
        tpu.enqueue_dma source(%dma_start3A_41 : memref<128xi32, #tpu.memory_space<hbm>>) target(%arg7 : memref<128xi32, #tpu.memory_space<vmem>>) target_semaphore(%run_scoped3A : memref<!tpu.dma_semaphore, #tpu.memory_space<semaphore_mem>>)
        %dma_wait3A_42 = tpu.memref_slice %arg3[%add3A_35] : memref<323584xi32, #tpu.memory_space<hbm>> -> memref<128xi32, #tpu.memory_space<hbm>>
        %dma_wait3A_43 = tpu.memref_slice %arg3[%add3A_35] : memref<323584xi32, #tpu.memory_space<hbm>> -> memref<128xi32, #tpu.memory_space<hbm>>
        tpu.wait_dma2 semaphore(%run_scoped3A : memref<!tpu.dma_semaphore, #tpu.memory_space<semaphore_mem>>) src(%dma_wait3A_43 : memref<128xi32, #tpu.memory_space<hbm>>) dst(%arg7 : memref<128xi32, #tpu.memory_space<vmem>>)
        tpu.yield
      }) : () -> ()
      "tpu.region"() ({
        %run_scoped3A = tpu.sem_alloc : memref<!tpu.dma_semaphore, #tpu.memory_space<semaphore_mem>>
        %dma_start3A_40 = tpu.memref_slice %arg4[%add3A_35] : memref<323584xi32, #tpu.memory_space<hbm>> -> memref<128xi32, #tpu.memory_space<hbm>>
        %dma_start3A_41 = tpu.memref_slice %arg4[%add3A_35] : memref<323584xi32, #tpu.memory_space<hbm>> -> memref<128xi32, #tpu.memory_space<hbm>>
        tpu.enqueue_dma source(%dma_start3A_41 : memref<128xi32, #tpu.memory_space<hbm>>) target(%arg8 : memref<128xi32, #tpu.memory_space<vmem>>) target_semaphore(%run_scoped3A : memref<!tpu.dma_semaphore, #tpu.memory_space<semaphore_mem>>)
        %dma_wait3A_42 = tpu.memref_slice %arg4[%add3A_35] : memref<323584xi32, #tpu.memory_space<hbm>> -> memref<128xi32, #tpu.memory_space<hbm>>
        %dma_wait3A_43 = tpu.memref_slice %arg4[%add3A_35] : memref<323584xi32, #tpu.memory_space<hbm>> -> memref<128xi32, #tpu.memory_space<hbm>>
        tpu.wait_dma2 semaphore(%run_scoped3A : memref<!tpu.dma_semaphore, #tpu.memory_space<semaphore_mem>>) src(%dma_wait3A_43 : memref<128xi32, #tpu.memory_space<hbm>>) dst(%arg8 : memref<128xi32, #tpu.memory_space<vmem>>)
        tpu.yield
      }) : () -> ()
      %dma_start3A = arith.constant 0 : i32
      %dma_start3A_36 = arith.constant 0 : i32
      %dma_start3A_37 = tpu.memref_slice %arg2[%dma_start3A, %dma_start3A_36] : memref<10000x128xf32, #tpu.memory_space<hbm>> -> memref<10000x128xf32, #tpu.memory_space<hbm>>
      tpu.enqueue_indirect_dma source(%dma_start3A_37 : memref<10000x128xf32, #tpu.memory_space<hbm>>) target(%arg9 : memref<128x128xf32, #tpu.memory_space<vmem>>) offsets(%arg7 : memref<128xi32, #tpu.memory_space<vmem>>) semaphore(%arg11 : memref<!tpu.dma_semaphore, #tpu.memory_space<semaphore_mem>>)
      %dma_wait3A = arith.constant 0 : i32
      %dma_wait3A_38 = arith.constant 0 : i32
      %dma_wait3A_39 = tpu.memref_slice %arg2[%dma_wait3A, %dma_wait3A_38] : memref<10000x128xf32, #tpu.memory_space<hbm>> -> memref<10000x128xf32, #tpu.memory_space<hbm>>
      tpu.wait_indirect_dma semaphore(%arg11 : memref<!tpu.dma_semaphore, #tpu.memory_space<semaphore_mem>>) src(%dma_wait3A_39 : memref<10000x128xf32, #tpu.memory_space<hbm>>) dst(%arg9 : memref<128x128xf32, #tpu.memory_space<vmem>>)
      "tpu.region"() ({
        %run_scoped3A = tpu.sem_alloc : memref<!tpu.dma_semaphore, #tpu.memory_space<semaphore_mem>>
        %dma_start3A_40 = arith.constant 0 : i32
        %dma_start3A_41 = arith.constant 0 : i32
        %dma_start3A_42 = tpu.memref_slice %arg10[%dma_start3A_40, %dma_start3A_41] : memref<10240x128xf32, #tpu.memory_space<vmem_shared>> -> memref<10240x128xf32, #tpu.memory_space<vmem_shared>>
        tpu.enqueue_indirect_dma source(%arg9 : memref<128x128xf32, #tpu.memory_space<vmem>>) target(%dma_start3A_42 : memref<10240x128xf32, #tpu.memory_space<vmem_shared>>) offsets(%arg8 : memref<128xi32, #tpu.memory_space<vmem>>) semaphore(%run_scoped3A : memref<!tpu.dma_semaphore, #tpu.memory_space<semaphore_mem>>) {add = true}
        %dma_wait3A_43 = arith.constant 0 : i32
        %dma_wait3A_44 = arith.constant 0 : i32
        %dma_wait3A_45 = tpu.memref_slice %arg10[%dma_wait3A_43, %dma_wait3A_44] : memref<10240x128xf32, #tpu.memory_space<vmem_shared>> -> memref<10240x128xf32, #tpu.memory_space<vmem_shared>>
        tpu.wait_indirect_dma semaphore(%run_scoped3A : memref<!tpu.dma_semaphore, #tpu.memory_space<semaphore_mem>>) src(%arg9 : memref<128x128xf32, #tpu.memory_space<vmem>>) dst(%dma_wait3A_45 : memref<10240x128xf32, #tpu.memory_space<vmem_shared>>)
        tpu.yield
      }) : () -> ()
    }
    %while3A_25 = arith.constant 1 : i32
    scf.for %while3A_32 = %while3A_23 to %while3A_19 step %while3A_25  : i32 {
      %mul3A_33 = arith.constant 128 : i32
      %mul3A_34 = arith.muli %while3A_32, %mul3A_33 : i32
      %add3A_35 = arith.addi %mul3A_16, %mul3A_34 : i32
      "tpu.region"() ({
        %run_scoped3A = tpu.sem_alloc : memref<!tpu.dma_semaphore, #tpu.memory_space<semaphore_mem>>
        %dma_start3A_40 = tpu.memref_slice %arg3[%add3A_35] : memref<323584xi32, #tpu.memory_space<hbm>> -> memref<128xi32, #tpu.memory_space<hbm>>
        %dma_start3A_41 = tpu.memref_slice %arg3[%add3A_35] : memref<323584xi32, #tpu.memory_space<hbm>> -> memref<128xi32, #tpu.memory_space<hbm>>
        tpu.enqueue_dma source(%dma_start3A_41 : memref<128xi32, #tpu.memory_space<hbm>>) target(%arg7 : memref<128xi32, #tpu.memory_space<vmem>>) target_semaphore(%run_scoped3A : memref<!tpu.dma_semaphore, #tpu.memory_space<semaphore_mem>>)
        %dma_wait3A_42 = tpu.memref_slice %arg3[%add3A_35] : memref<323584xi32, #tpu.memory_space<hbm>> -> memref<128xi32, #tpu.memory_space<hbm>>
        %dma_wait3A_43 = tpu.memref_slice %arg3[%add3A_35] : memref<323584xi32, #tpu.memory_space<hbm>> -> memref<128xi32, #tpu.memory_space<hbm>>
        tpu.wait_dma2 semaphore(%run_scoped3A : memref<!tpu.dma_semaphore, #tpu.memory_space<semaphore_mem>>) src(%dma_wait3A_43 : memref<128xi32, #tpu.memory_space<hbm>>) dst(%arg7 : memref<128xi32, #tpu.memory_space<vmem>>)
        tpu.yield
      }) : () -> ()
      "tpu.region"() ({
        %run_scoped3A = tpu.sem_alloc : memref<!tpu.dma_semaphore, #tpu.memory_space<semaphore_mem>>
        %dma_start3A_40 = tpu.memref_slice %arg4[%add3A_35] : memref<323584xi32, #tpu.memory_space<hbm>> -> memref<128xi32, #tpu.memory_space<hbm>>
        %dma_start3A_41 = tpu.memref_slice %arg4[%add3A_35] : memref<323584xi32, #tpu.memory_space<hbm>> -> memref<128xi32, #tpu.memory_space<hbm>>
        tpu.enqueue_dma source(%dma_start3A_41 : memref<128xi32, #tpu.memory_space<hbm>>) target(%arg8 : memref<128xi32, #tpu.memory_space<vmem>>) target_semaphore(%run_scoped3A : memref<!tpu.dma_semaphore, #tpu.memory_space<semaphore_mem>>)
        %dma_wait3A_42 = tpu.memref_slice %arg4[%add3A_35] : memref<323584xi32, #tpu.memory_space<hbm>> -> memref<128xi32, #tpu.memory_space<hbm>>
        %dma_wait3A_43 = tpu.memref_slice %arg4[%add3A_35] : memref<323584xi32, #tpu.memory_space<hbm>> -> memref<128xi32, #tpu.memory_space<hbm>>
        tpu.wait_dma2 semaphore(%run_scoped3A : memref<!tpu.dma_semaphore, #tpu.memory_space<semaphore_mem>>) src(%dma_wait3A_43 : memref<128xi32, #tpu.memory_space<hbm>>) dst(%arg8 : memref<128xi32, #tpu.memory_space<vmem>>)
        tpu.yield
      }) : () -> ()
      %dma_start3A = arith.constant 0 : i32
      %dma_start3A_36 = arith.constant 0 : i32
      %dma_start3A_37 = tpu.memref_slice %arg2[%dma_start3A, %dma_start3A_36] : memref<10000x128xf32, #tpu.memory_space<hbm>> -> memref<10000x128xf32, #tpu.memory_space<hbm>>
      tpu.enqueue_indirect_dma source(%dma_start3A_37 : memref<10000x128xf32, #tpu.memory_space<hbm>>) target(%arg9 : memref<128x128xf32, #tpu.memory_space<vmem>>) offsets(%arg7 : memref<128xi32, #tpu.memory_space<vmem>>) semaphore(%arg11 : memref<!tpu.dma_semaphore, #tpu.memory_space<semaphore_mem>>)
      %dma_wait3A = arith.constant 0 : i32
      %dma_wait3A_38 = arith.constant 0 : i32
      %dma_wait3A_39 = tpu.memref_slice %arg2[%dma_wait3A, %dma_wait3A_38] : memref<10000x128xf32, #tpu.memory_space<hbm>> -> memref<10000x128xf32, #tpu.memory_space<hbm>>
      tpu.wait_indirect_dma semaphore(%arg11 : memref<!tpu.dma_semaphore, #tpu.memory_space<semaphore_mem>>) src(%dma_wait3A_39 : memref<10000x128xf32, #tpu.memory_space<hbm>>) dst(%arg9 : memref<128x128xf32, #tpu.memory_space<vmem>>)
      "tpu.region"() ({
        %run_scoped3A = tpu.sem_alloc : memref<!tpu.dma_semaphore, #tpu.memory_space<semaphore_mem>>
        %dma_start3A_40 = arith.constant 0 : i32
        %dma_start3A_41 = arith.constant 0 : i32
        %dma_start3A_42 = tpu.memref_slice %arg10[%dma_start3A_40, %dma_start3A_41] : memref<10240x128xf32, #tpu.memory_space<vmem_shared>> -> memref<10240x128xf32, #tpu.memory_space<vmem_shared>>
        tpu.enqueue_indirect_dma source(%arg9 : memref<128x128xf32, #tpu.memory_space<vmem>>) target(%dma_start3A_42 : memref<10240x128xf32, #tpu.memory_space<vmem_shared>>) offsets(%arg8 : memref<128xi32, #tpu.memory_space<vmem>>) semaphore(%run_scoped3A : memref<!tpu.dma_semaphore, #tpu.memory_space<semaphore_mem>>) {add = true}
        %dma_wait3A_43 = arith.constant 0 : i32
        %dma_wait3A_44 = arith.constant 0 : i32
        %dma_wait3A_45 = tpu.memref_slice %arg10[%dma_wait3A_43, %dma_wait3A_44] : memref<10240x128xf32, #tpu.memory_space<vmem_shared>> -> memref<10240x128xf32, #tpu.memory_space<vmem_shared>>
        tpu.wait_indirect_dma semaphore(%run_scoped3A : memref<!tpu.dma_semaphore, #tpu.memory_space<semaphore_mem>>) src(%arg9 : memref<128x128xf32, #tpu.memory_space<vmem>>) dst(%dma_wait3A_45 : memref<10240x128xf32, #tpu.memory_space<vmem_shared>>)
        tpu.yield
      }) : () -> ()
    }
    %barrier3A_26 = arith.constant 0 : index
    tpu.barrier barrier_id(%barrier3A_26)
    %barrier3A_27 = arith.constant 0 : index
    tpu.barrier barrier_id(%barrier3A_27)
    %mul3A_28 = arith.constant 640 : i32
    %mul3A_29 = arith.muli %arg1, %mul3A_28 : i32
    %mul3A_30 = arith.constant 640 : i32
    %mul3A_31 = arith.muli %arg1, %mul3A_30 : i32
    "tpu.region"() ({
      %run_scoped3A = tpu.sem_alloc : memref<!tpu.dma_semaphore, #tpu.memory_space<semaphore_mem>>
      %dma_start3A = arith.constant 0 : i32
      %dma_start3A_32 = tpu.memref_slice %arg6[%arg0, %mul3A_31, %dma_start3A] : memref<2x10240x128xf32, #tpu.memory_space<hbm>> -> memref<1x640x128xf32, #tpu.memory_space<hbm>>
      %dma_start3A_33 = tpu.memref_squeeze %dma_start3A_32 : memref<1x640x128xf32, #tpu.memory_space<hbm>> -> memref<640x128xf32, #tpu.memory_space<hbm>>
      %dma_start3A_34 = arith.constant 0 : i32
      %dma_start3A_35 = tpu.memref_slice %arg10[%mul3A_29, %dma_start3A_34] : memref<10240x128xf32, #tpu.memory_space<vmem_shared>> -> memref<640x128xf32, #tpu.memory_space<vmem_shared>>
      tpu.enqueue_dma source(%dma_start3A_35 : memref<640x128xf32, #tpu.memory_space<vmem_shared>>) target(%dma_start3A_33 : memref<640x128xf32, #tpu.memory_space<hbm>>) target_semaphore(%run_scoped3A : memref<!tpu.dma_semaphore, #tpu.memory_space<semaphore_mem>>)
      %dma_wait3A = arith.constant 0 : i32
      %dma_wait3A_36 = tpu.memref_slice %arg6[%arg0, %mul3A_31, %dma_wait3A] : memref<2x10240x128xf32, #tpu.memory_space<hbm>> -> memref<1x640x128xf32, #tpu.memory_space<hbm>>
      %dma_wait3A_37 = tpu.memref_squeeze %dma_wait3A_36 : memref<1x640x128xf32, #tpu.memory_space<hbm>> -> memref<640x128xf32, #tpu.memory_space<hbm>>
      %dma_wait3A_38 = arith.constant 0 : i32
      %dma_wait3A_39 = tpu.memref_slice %arg10[%mul3A_29, %dma_wait3A_38] : memref<10240x128xf32, #tpu.memory_space<vmem_shared>> -> memref<640x128xf32, #tpu.memory_space<vmem_shared>>
      tpu.wait_dma2 semaphore(%run_scoped3A : memref<!tpu.dma_semaphore, #tpu.memory_space<semaphore_mem>>) src(%dma_wait3A_39 : memref<640x128xf32, #tpu.memory_space<vmem_shared>>) dst(%dma_wait3A_37 : memref<640x128xf32, #tpu.memory_space<hbm>>)
      tpu.yield
    }) : () -> ()
    return
  }
}

module attributes {stable_mosaic.version = 14 : i64} {
  func.func @_tc1_body(%arg0: i32, %arg1: memref<2000x2xf32, #tpu.memory_space<vmem>>, %arg2: memref<2000x128xf32, #tpu.memory_space<vmem>>, %arg3: memref<128x128xf32, #tpu.memory_space<vmem>>, %arg4: memref<2000x128xf32, #tpu.memory_space<vmem>>, %arg5: memref<2000x1xf32, #tpu.memory_space<vmem>>) attributes {dimension_semantics = [#tpu.dimension_semantics<arbitrary>], iteration_bounds = array<i64: 5>, scalar_prefetch = 0 : i64, scratch_operands = 0 : i64, tpu.core_type = #tpu.core_type<tc>, window_params = [{transform_indices = @transform_0, window_bounds = array<i64: 2000, 2>}, {transform_indices = @transform_1, window_bounds = array<i64: 2000, 128>}, {pipeline_mode = #tpu.pipeline_mode<synchronous>, transform_indices = @transform_2, window_bounds = array<i64: 128, 128>}, {transform_indices = @transform_3, window_bounds = array<i64: 2000, 128>}, {transform_indices = @transform_4, window_bounds = array<i64: 2000, 1>}]} {
    %get3A = arith.constant 0 : index
    %get3A_0 = arith.constant 0 : index
    %get3A_1 = vector.load %arg1[%get3A, %get3A_0] : memref<2000x2xf32, #tpu.memory_space<vmem>>, vector<2000x2xf32>
    %reduce_sum3A = arith.constant dense<0.000000e+00> : vector<2000xf32>
    %reduce_sum3A_2 = vector.multi_reduction <add>, %get3A_1, %reduce_sum3A [1] : vector<2000x2xf32> to vector<2000xf32>
    %broadcast_in_dim3A = vector.shape_cast %reduce_sum3A_2 : vector<2000xf32> to vector<2000x1xf32>
    %add3A = arith.constant 1.000000e+00 : f32
    %add3A_3 = vector.broadcast %add3A : f32 to vector<2000x1xf32>
    %add3A_4 = arith.addf %add3A_3, %broadcast_in_dim3A : vector<2000x1xf32>
    %gt3A = arith.constant 0.000000e+00 : f32
    %gt3A_5 = vector.broadcast %gt3A : f32 to vector<2000x1xf32>
    %gt3A_6 = arith.cmpf ogt, %add3A_4, %gt3A_5 : vector<2000x1xf32>
    %rsqrt3A = math.rsqrt %add3A_4 : vector<2000x1xf32>
    %jit3A = arith.constant 0.000000e+00 : f32
    %broadcast_in_dim3A_7 = vector.broadcast %jit3A : f32 to vector<2000x1xf32>
    %select_n3A = arith.select %gt3A_6, %rsqrt3A, %broadcast_in_dim3A_7 : vector<2000x1xi1>, vector<2000x1xf32>
    %get3A_8 = arith.constant 0 : index
    %get3A_9 = arith.constant 0 : index
    %get3A_10 = vector.load %arg2[%get3A_8, %get3A_9] : memref<2000x128xf32, #tpu.memory_space<vmem>>, vector<2000x128xf32>
    %get3A_11 = arith.constant 0 : index
    %get3A_12 = arith.constant 0 : index
    %get3A_13 = vector.load %arg3[%get3A_11, %get3A_12] : memref<128x128xf32, #tpu.memory_space<vmem>>, vector<128x128xf32>
    %dot_general3A = arith.constant dense<0.000000e+00> : vector<2000x128xf32>
    %dot_general3A_14 = tpu.matmul %get3A_10, %get3A_13, %dot_general3A {dimension_numbers = #tpu.dot_dimension_numbers<[1], [0], [0], [1], [0, 0, 1, 1], [], []>, transpose_lhs_hint = false} : vector<2000x128xf32>, vector<128x128xf32>, vector<2000x128xf32> -> vector<2000x128xf32>
    %mul3A = vector.broadcast %select_n3A : vector<2000x1xf32> to vector<2000x128xf32>
    %mul3A_15 = arith.mulf %dot_general3A_14, %mul3A : vector<2000x128xf32>
    %swap3A = arith.constant 0 : index
    %swap3A_16 = arith.constant 0 : index
    %swap3A_17 = vector.load %arg4[%swap3A, %swap3A_16] : memref<2000x128xf32, #tpu.memory_space<vmem>>, vector<2000x128xf32>
    tpu.vector_store %arg4[%swap3A, %swap3A_16], %mul3A_15 {strides = array<i32>} : memref<2000x128xf32, #tpu.memory_space<vmem>>, vector<2000x128xf32>,
    %swap3A_18 = arith.constant 0 : index
    %swap3A_19 = arith.constant 0 : index
    %swap3A_20 = vector.load %arg5[%swap3A_18, %swap3A_19] : memref<2000x1xf32, #tpu.memory_space<vmem>>, vector<2000x1xf32>
    tpu.vector_store %arg5[%swap3A_18, %swap3A_19], %select_n3A {strides = array<i32>} : memref<2000x1xf32, #tpu.memory_space<vmem>>, vector<2000x1xf32>,
    return
  }
  func.func @transform_0(%arg0: i32) -> (i32, i32) {
    %c0_i32 = arith.constant 0 : i32
    %c0_i32_0 = arith.constant 0 : i32
    return %arg0, %c0_i32 : i32, i32
  }
  func.func @transform_1(%arg0: i32) -> (i32, i32) {
    %c0_i32 = arith.constant 0 : i32
    %c0_i32_0 = arith.constant 0 : i32
    return %arg0, %c0_i32 : i32, i32
  }
  func.func @transform_2(%arg0: i32) -> (i32, i32) {
    %c0_i32 = arith.constant 0 : i32
    %c0_i32_0 = arith.constant 0 : i32
    %c0_i32_1 = arith.constant 0 : i32
    return %c0_i32, %c0_i32_0 : i32, i32
  }
  func.func @transform_3(%arg0: i32) -> (i32, i32) {
    %c0_i32 = arith.constant 0 : i32
    %c0_i32_0 = arith.constant 0 : i32
    return %arg0, %c0_i32 : i32, i32
  }
  func.func @transform_4(%arg0: i32) -> (i32, i32) {
    %c0_i32 = arith.constant 0 : i32
    %c0_i32_0 = arith.constant 0 : i32
    return %arg0, %c0_i32 : i32, i32
  }
}

module attributes {stable_mosaic.version = 14 : i64} {
  func.func @_tc2_body(%arg0: i32, %arg1: memref<2x2000x128xf32, #tpu.memory_space<vmem>>, %arg2: memref<2000x128xf32, #tpu.memory_space<vmem>>, %arg3: memref<2000x1xf32, #tpu.memory_space<vmem>>, %arg4: memref<1x128xf32, #tpu.memory_space<vmem>>, %arg5: memref<128x128xf32, #tpu.memory_space<vmem>>, %arg6: memref<2000x128xf32, #tpu.memory_space<vmem>>) attributes {dimension_semantics = [#tpu.dimension_semantics<arbitrary>], iteration_bounds = array<i64: 5>, scalar_prefetch = 0 : i64, scratch_operands = 0 : i64, tpu.core_type = #tpu.core_type<tc>, window_params = [{transform_indices = @transform_0, window_bounds = array<i64: 2, 2000, 128>}, {transform_indices = @transform_1, window_bounds = array<i64: 2000, 128>}, {transform_indices = @transform_2, window_bounds = array<i64: 2000, 1>}, {pipeline_mode = #tpu.pipeline_mode<synchronous>, transform_indices = @transform_3, window_bounds = array<i64: 1, 128>}, {pipeline_mode = #tpu.pipeline_mode<synchronous>, transform_indices = @transform_4, window_bounds = array<i64: 128, 128>}, {transform_indices = @transform_5, window_bounds = array<i64: 2000, 128>}]} {
    %get3A = arith.constant 0 : index
    %get3A_0 = arith.constant 0 : index
    %get3A_1 = arith.constant 0 : index
    %get3A_2 = vector.load %arg1[%get3A, %get3A_0, %get3A_1] : memref<2x2000x128xf32, #tpu.memory_space<vmem>>, vector<1x2000x128xf32>
    %get3A_3 = vector.shape_cast %get3A_2 : vector<1x2000x128xf32> to vector<2000x128xf32>
    %get3A_4 = arith.constant 1 : index
    %get3A_5 = arith.constant 0 : index
    %get3A_6 = arith.constant 0 : index
    %get3A_7 = vector.load %arg1[%get3A_4, %get3A_5, %get3A_6] : memref<2x2000x128xf32, #tpu.memory_space<vmem>>, vector<1x2000x128xf32>
    %get3A_8 = vector.shape_cast %get3A_7 : vector<1x2000x128xf32> to vector<2000x128xf32>
    %add3A = arith.addf %get3A_3, %get3A_8 : vector<2000x128xf32>
    %get3A_9 = arith.constant 0 : index
    %get3A_10 = arith.constant 0 : index
    %get3A_11 = vector.load %arg2[%get3A_9, %get3A_10] : memref<2000x128xf32, #tpu.memory_space<vmem>>, vector<2000x128xf32>
    %add3A_12 = arith.addf %add3A, %get3A_11 : vector<2000x128xf32>
    %get3A_13 = arith.constant 0 : index
    %get3A_14 = arith.constant 0 : index
    %get3A_15 = vector.load %arg3[%get3A_13, %get3A_14] : memref<2000x1xf32, #tpu.memory_space<vmem>>, vector<2000x1xf32>
    %mul3A = vector.broadcast %get3A_15 : vector<2000x1xf32> to vector<2000x128xf32>
    %mul3A_16 = arith.mulf %add3A_12, %mul3A : vector<2000x128xf32>
    %get3A_17 = arith.constant 0 : index
    %get3A_18 = arith.constant 0 : index
    %get3A_19 = vector.load %arg4[%get3A_17, %get3A_18] : memref<1x128xf32, #tpu.memory_space<vmem>>, vector<1x128xf32>
    %add3A_20 = vector.broadcast %get3A_19 : vector<1x128xf32> to vector<2000x128xf32>
    %add3A_21 = arith.addf %mul3A_16, %add3A_20 : vector<2000x128xf32>
    %max3A = arith.constant 0.000000e+00 : f32
    %max3A_22 = vector.broadcast %max3A : f32 to vector<2000x128xf32>
    %max3A_23 = arith.maximumf %add3A_21, %max3A_22 : vector<2000x128xf32>
    %get3A_24 = arith.constant 0 : index
    %get3A_25 = arith.constant 0 : index
    %get3A_26 = vector.load %arg5[%get3A_24, %get3A_25] : memref<128x128xf32, #tpu.memory_space<vmem>>, vector<128x128xf32>
    %dot_general3A = arith.constant dense<0.000000e+00> : vector<2000x128xf32>
    %dot_general3A_27 = tpu.matmul %max3A_23, %get3A_26, %dot_general3A {dimension_numbers = #tpu.dot_dimension_numbers<[1], [0], [0], [1], [0, 0, 1, 1], [], []>, transpose_lhs_hint = false} : vector<2000x128xf32>, vector<128x128xf32>, vector<2000x128xf32> -> vector<2000x128xf32>
    %mul3A_28 = vector.broadcast %get3A_15 : vector<2000x1xf32> to vector<2000x128xf32>
    %mul3A_29 = arith.mulf %dot_general3A_27, %mul3A_28 : vector<2000x128xf32>
    %swap3A = arith.constant 0 : index
    %swap3A_30 = arith.constant 0 : index
    %swap3A_31 = vector.load %arg6[%swap3A, %swap3A_30] : memref<2000x128xf32, #tpu.memory_space<vmem>>, vector<2000x128xf32>
    tpu.vector_store %arg6[%swap3A, %swap3A_30], %mul3A_29 {strides = array<i32>} : memref<2000x128xf32, #tpu.memory_space<vmem>>, vector<2000x128xf32>,
    return
  }
  func.func @transform_0(%arg0: i32) -> (i32, i32, i32) {
    %c0_i32 = arith.constant 0 : i32
    %c0_i32_0 = arith.constant 0 : i32
    %c0_i32_1 = arith.constant 0 : i32
    return %c0_i32, %arg0, %c0_i32_0 : i32, i32, i32
  }
  func.func @transform_1(%arg0: i32) -> (i32, i32) {
    %c0_i32 = arith.constant 0 : i32
    %c0_i32_0 = arith.constant 0 : i32
    return %arg0, %c0_i32 : i32, i32
  }
  func.func @transform_2(%arg0: i32) -> (i32, i32) {
    %c0_i32 = arith.constant 0 : i32
    %c0_i32_0 = arith.constant 0 : i32
    return %arg0, %c0_i32 : i32, i32
  }
  func.func @transform_3(%arg0: i32) -> (i32, i32) {
    %c0_i32 = arith.constant 0 : i32
    %c0_i32_0 = arith.constant 0 : i32
    %c0_i32_1 = arith.constant 0 : i32
    return %c0_i32, %c0_i32_0 : i32, i32
  }
  func.func @transform_4(%arg0: i32) -> (i32, i32) {
    %c0_i32 = arith.constant 0 : i32
    %c0_i32_0 = arith.constant 0 : i32
    %c0_i32_1 = arith.constant 0 : i32
    return %c0_i32, %c0_i32_0 : i32, i32
  }
  func.func @transform_5(%arg0: i32) -> (i32, i32) {
    %c0_i32 = arith.constant 0 : i32
    %c0_i32_0 = arith.constant 0 : i32
    return %arg0, %c0_i32 : i32, i32
  }
}

module attributes {stable_mosaic.version = 14 : i64} {
  func.func @_tc3_body(%arg0: i32, %arg1: memref<2x2000x128xf32, #tpu.memory_space<vmem>>, %arg2: memref<2000x128xf32, #tpu.memory_space<vmem>>, %arg3: memref<2000x1xf32, #tpu.memory_space<vmem>>, %arg4: memref<1x64xf32, #tpu.memory_space<vmem>>, %arg5: memref<2000x64xf32, #tpu.memory_space<vmem>>) attributes {dimension_semantics = [#tpu.dimension_semantics<arbitrary>], iteration_bounds = array<i64: 5>, scalar_prefetch = 0 : i64, scratch_operands = 0 : i64, tpu.core_type = #tpu.core_type<tc>, window_params = [{transform_indices = @transform_0, window_bounds = array<i64: 2, 2000, 128>}, {transform_indices = @transform_1, window_bounds = array<i64: 2000, 128>}, {transform_indices = @transform_2, window_bounds = array<i64: 2000, 1>}, {pipeline_mode = #tpu.pipeline_mode<synchronous>, transform_indices = @transform_3, window_bounds = array<i64: 1, 64>}, {transform_indices = @transform_4, window_bounds = array<i64: 2000, 64>}]} {
    %get3A = arith.constant 0 : index
    %get3A_0 = arith.constant 0 : index
    %get3A_1 = arith.constant 0 : index
    %get3A_2 = vector.load %arg1[%get3A, %get3A_0, %get3A_1] : memref<2x2000x128xf32, #tpu.memory_space<vmem>>, vector<1x2000x128xf32>
    %get3A_3 = vector.shape_cast %get3A_2 : vector<1x2000x128xf32> to vector<2000x128xf32>
    %get3A_4 = arith.constant 1 : index
    %get3A_5 = arith.constant 0 : index
    %get3A_6 = arith.constant 0 : index
    %get3A_7 = vector.load %arg1[%get3A_4, %get3A_5, %get3A_6] : memref<2x2000x128xf32, #tpu.memory_space<vmem>>, vector<1x2000x128xf32>
    %get3A_8 = vector.shape_cast %get3A_7 : vector<1x2000x128xf32> to vector<2000x128xf32>
    %add3A = arith.addf %get3A_3, %get3A_8 : vector<2000x128xf32>
    %get3A_9 = arith.constant 0 : index
    %get3A_10 = arith.constant 0 : index
    %get3A_11 = vector.load %arg2[%get3A_9, %get3A_10] : memref<2000x128xf32, #tpu.memory_space<vmem>>, vector<2000x128xf32>
    %add3A_12 = arith.addf %add3A, %get3A_11 : vector<2000x128xf32>
    %get3A_13 = arith.constant 0 : index
    %get3A_14 = arith.constant 0 : index
    %get3A_15 = vector.load %arg3[%get3A_13, %get3A_14] : memref<2000x1xf32, #tpu.memory_space<vmem>>, vector<2000x1xf32>
    %mul3A = vector.broadcast %get3A_15 : vector<2000x1xf32> to vector<2000x128xf32>
    %mul3A_16 = arith.mulf %add3A_12, %mul3A : vector<2000x128xf32>
    %slice3A = vector.extract_strided_slice %mul3A_16 {offsets = [0, 0], sizes = [2000, 64], strides = [1, 1]} : vector<2000x128xf32> to vector<2000x64xf32>
    %get3A_17 = arith.constant 0 : index
    %get3A_18 = arith.constant 0 : index
    %get3A_19 = vector.load %arg4[%get3A_17, %get3A_18] : memref<1x64xf32, #tpu.memory_space<vmem>>, vector<1x64xf32>
    %add3A_20 = vector.broadcast %get3A_19 : vector<1x64xf32> to vector<2000x64xf32>
    %add3A_21 = arith.addf %slice3A, %add3A_20 : vector<2000x64xf32>
    %max3A = arith.constant 0.000000e+00 : f32
    %max3A_22 = vector.broadcast %max3A : f32 to vector<2000x64xf32>
    %max3A_23 = arith.maximumf %add3A_21, %max3A_22 : vector<2000x64xf32>
    %swap3A = arith.constant 0 : index
    %swap3A_24 = arith.constant 0 : index
    %swap3A_25 = vector.load %arg5[%swap3A, %swap3A_24] : memref<2000x64xf32, #tpu.memory_space<vmem>>, vector<2000x64xf32>
    tpu.vector_store %arg5[%swap3A, %swap3A_24], %max3A_23 {strides = array<i32>} : memref<2000x64xf32, #tpu.memory_space<vmem>>, vector<2000x64xf32>,
    return
  }
  func.func @transform_0(%arg0: i32) -> (i32, i32, i32) {
    %c0_i32 = arith.constant 0 : i32
    %c0_i32_0 = arith.constant 0 : i32
    %c0_i32_1 = arith.constant 0 : i32
    return %c0_i32, %arg0, %c0_i32_0 : i32, i32, i32
  }
  func.func @transform_1(%arg0: i32) -> (i32, i32) {
    %c0_i32 = arith.constant 0 : i32
    %c0_i32_0 = arith.constant 0 : i32
    return %arg0, %c0_i32 : i32, i32
  }
  func.func @transform_2(%arg0: i32) -> (i32, i32) {
    %c0_i32 = arith.constant 0 : i32
    %c0_i32_0 = arith.constant 0 : i32
    return %arg0, %c0_i32 : i32, i32
  }
  func.func @transform_3(%arg0: i32) -> (i32, i32) {
    %c0_i32 = arith.constant 0 : i32
    %c0_i32_0 = arith.constant 0 : i32
    %c0_i32_1 = arith.constant 0 : i32
    return %c0_i32, %c0_i32_0 : i32, i32
  }
  func.func @transform_4(%arg0: i32) -> (i32, i32) {
    %c0_i32 = arith.constant 0 : i32
    %c0_i32_0 = arith.constant 0 : i32
    return %arg0, %c0_i32 : i32, i32
  }
}

</mosaic_0001>

<sc_bundles>
// kernel: kernel.11.cloned.1.call-start
scs
__scs_entry_jumppad:
0x0: {  	(pc) =	sbr.rel $0x88, $3  }
0x1: {  	(tag) =	ssettag $0x0;
	lr =	simm.s32 $0x1  }
0x2: {  	[smem:$0x3F9B] =	sst lr;
	_ =	strace $0xD0000000  }
0x3: {  	_ = 	snop  }
0x4: {  	_ = 	snop  }
0x5: {  	_ = 	snop  }
0x6: {  	_ = 	snop  }
0x7: {  	_ = 	snop  }
__scs_overlays_trampoline_lowered:
0x8: {  	[smem:$0x3FAA] =	sst s0  }
0x9: {  	[smem:$0x3FAB] =	sst s1  }
0xa: {  	[smem:$0x3FAC] =	sst s2  }
0xb: {  	[smem:$0x3FAD] =	sst s3  }
0xc: {  	[smem:$0x3FAE] =	sst s4  }
0xd: {  	[smem:$0x3FAF] =	sst s5  }
0xe: {  	[smem:$0x3FB0] =	sst s6  }
0xf: {  	[smem:$0x3FB1] =	sst s7  }
0x10: {  	[smem:$0x3FB2] =	sst s8  }
0x11: {  	[smem:$0x3FB3] =	sst s9;
	s0 =	simm.s32 @!p0 $0x0  }
0x12: {  	s1 =	sld [smem:$0x3F99];
	s0 =	simm.s32 @p0 $0x1  }
0x13: {  	[smem:$0x3FB4] =	sst s0;
	s0 =	simm.s32 @!p1 $0x0  }
0x14: {  	s2 =	sld [smem:$0x3F98];
	s0 =	simm.s32 @p1 $0x1  }
0x15: {  	[smem:$0x3FB5] =	sst s0;
	s0 =	simm.s32 @!p2 $0x0  }
0x16: {  	s3 =	sld [smem:$0x3FDB];
	s0 =	simm.s32 @p2 $0x1  }
0x17: {  	s4 =	simm.s32 $0x1BF5;
	[smem:$0x3FB7] =	sst s0  }
0x18: {  	s0 =	sld [smem:$0x3F9A];
	_ =	swait.ge [sflag:s4], $0x0  }
0x19: {  	s7 =	sld [smem:$0x3F9B]  }
0x1a: {  	s8 =	sadd.s32 $0xFFFFE003, lr  }
0x1b: {  	s9 =	sadd.s32 $0xFFFFFEF7, lr;
	s5 =	simm.s32 $0xFFFFFFFF;
	p2 =	slt.u32 s8, $0xFFFFF086  }
0x1c: {  	p1 =	slt.u32 s9, $0xF7A;
	s5 =	simm.s32 @!p2 $0x0  }
0x1d: {  	s5 =	simm.s32 @p1 $0x1;
	p0 =	seq.s32 s7, s2  }
0x1e: {  	s7 =	smul.u32 @!p0 $0xF7A, s2;
	p2 =	seq.s32 @!p0 s5, $0x0  }
0x1f: {  	s9 =	smul.u32 $0xF7A, s1;
	s8 =	simm.s32 @!p0 $0x1BF5;
	p2 =	por !p2, p0  }
0x20: {  	[sflag:s8] =	ssyncset.s32 @!p0 $0xFFFFF086;
	s6 =	sadd.s32 @!p0 s3, s7;
	s7 =	simm.s32 @!p0 $0x108  }
0x21: {  	s3 =	sadd.s32 s3, s9;
	s6 =	sadd.s32 @!p0 $0x88, s6;
	s7 =	simm.s32 @p2 $0x1082  }
0x22: {  	[simem:s7], [sflag:s8] =	dma.local @!p0 [hbm:s6], $0xF7A  }
0x23: {  	s9 =	sor.u32 $0xD0000000, s2;
	s6 =	simm.s32 $0x108;
	_ =	swait.ge @!p0 [sflag:s8], $0x0  }
0x24: {  	s3 =	sadd.s32 $0x88, s3;
	s6 =	simm.s32 @!p1 $0x1082;
	[sflag:s4] =	ssyncset.s32 $0xFFFFF086  }
0x25: {  	[simem:s6], [sflag:s4] =	dma.local [hbm:s3], $0xF7A  }
0x26: {  	[smem:$0x3F9B] =	sst s1;
	(tag) =	ssettag s2;
	_ =	strace s9  }
0x27: {  	s1 =	sld [smem:$0x3FAB]  }
0x28: {  	s2 =	sld [smem:$0x3FAC]  }
0x29: {  	s4 =	sld [smem:$0x3FAE]  }
0x2a: {  	p0 =	seq.s32 s5, $0x0;
	s5 =	sld [smem:$0x3FAF]  }
0x2b: {  	s6 =	sld [smem:$0x3FB0]  }
0x2c: {  	s7 =	sld [smem:$0x3FB1]  }
0x2d: {  	s3 =	simm.s32 $0x108;
	s8 =	sld [smem:$0x3FB2]  }
0x2e: {  	s3 =	simm.s32 @!p0 $0x1082;
	s9 =	sld [smem:$0x3FB3]  }
0x2f: {  	lr =	sadd.s32 s0, s3;
	s0 =	sld [smem:$0x3FAA]  }
0x30: {  	s3 =	sld [smem:$0x3FAD]  }
0x31: {  	[smem:$0x3FB6] =	sst s10  }
0x32: {  	s10 =	sld [smem:$0x3FB4];
	_ =	sdelay $0x3  }
0x33: {  	p0 =	seq.s32 s10, $0x1;
	s10 =	sld [smem:$0x3FB6];
	_ =	sdelay $0x3  }
0x34: {  	[smem:$0x3FB6] =	sst s10  }
0x35: {  	s10 =	sld [smem:$0x3FB5];
	_ =	sdelay $0x3  }
0x36: {  	p1 =	seq.s32 s10, $0x1;
	s10 =	sld [smem:$0x3FB6];
	_ =	sdelay $0x3  }
0x37: {  	[smem:$0x3FB6] =	sst s10  }
0x38: {  	s10 =	sld [smem:$0x3FB7]  }
0x39: {  	_ = 	snop;
	(pc) =	sbr.ind lr, $3  }
0x3a: {  	_ = 	snop  }
0x3b: {  	_ = 	snop  }
0x3c: {  	p2 =	seq.s32 s10, $0x1;
	s10 =	sld [smem:$0x3FB6]  }
0x3d: {  	_ =	shalt  }
0x3e: {  	_ =	shalt  }
0x3f: {  	_ =	shalt  }
0x40: {  	_ =	shalt  }
0x41: {  	_ =	shalt  }
0x42: {  	_ =	shalt  }
0x43: {  	_ =	shalt  }
0x44: {  	_ =	shalt  }
0x45: {  	_ =	shalt  }
0x46: {  	_ =	shalt  }
0x47: {  	_ =	shalt  }
0x48: {  	_ =	shalt  }
0x49: {  	_ =	shalt  }
0x4a: {  	_ =	shalt  }
0x4b: {  	_ =	shalt  }
0x4c: {  	_ =	shalt  }
0x4d: {  	_ =	shalt  }
0x4e: {  	_ =	shalt  }
0x4f: {  	_ =	shalt  }
0x50: {  	_ =	shalt  }
0x51: {  	_ =	shalt  }
0x52: {  	_ =	shalt  }
0x53: {  	_ =	shalt  }
0x54: {  	_ =	shalt  }
0x55: {  	_ =	shalt  }
0x56: {  	_ =	shalt  }
0x57: {  	_ =	shalt  }
0x58: {  	_ =	shalt  }
0x59: {  	_ =	shalt  }
0x5a: {  	_ =	shalt  }
0x5b: {  	_ =	shalt  }
0x5c: {  	_ =	shalt  }
0x5d: {  	_ =	shalt  }
0x5e: {  	_ =	shalt  }
0x5f: {  	_ =	shalt  }
0x60: {  	_ =	shalt  }
0x61: {  	_ =	shalt  }
0x62: {  	_ =	shalt  }
0x63: {  	_ =	shalt  }
0x64: {  	_ =	shalt  }
0x65: {  	_ =	shalt  }
0x66: {  	_ =	shalt  }
0x67: {  	_ =	shalt  }
0x68: {  	_ =	shalt  }
0x69: {  	_ =	shalt  }
0x6a: {  	_ =	shalt  }
0x6b: {  	_ =	shalt  }
0x6c: {  	_ =	shalt  }
0x6d: {  	_ =	shalt  }
0x6e: {  	_ =	shalt  }
0x6f: {  	_ =	shalt  }
0x70: {  	_ =	shalt  }
0x71: {  	_ =	shalt  }
0x72: {  	_ =	shalt  }
0x73: {  	_ =	shalt  }
0x74: {  	_ =	shalt  }
0x75: {  	_ =	shalt  }
0x76: {  	_ =	shalt  }
0x77: {  	_ =	shalt  }
0x78: {  	_ =	shalt  }
0x79: {  	_ =	shalt  }
0x7a: {  	_ =	shalt  }
0x7b: {  	_ =	shalt  }
0x7c: {  	_ =	shalt  }
0x7d: {  	_ =	shalt  }
0x7e: {  	_ =	shalt  }
0x7f: {  	_ =	shalt  }
0x80: {  	_ =	shalt  }
0x81: {  	_ =	shalt  }
0x82: {  	_ =	shalt  }
0x83: {  	_ =	shalt  }
0x84: {  	_ =	shalt  }
0x85: {  	_ =	shalt  }
0x86: {  	_ =	shalt  }
0x87: {  	_ =	shalt  }
.Lfunc_end0:
.L_simem_size_0:
called_computation.1_lowered:
.L_overlay_start_0:
0x88: {  	s2 =	sld [smem:$0x3FD9]  }
0x89: {  	s3 =	sld [smem:$0x3FFE];
	_ =	sdelay $0x1  }
0x8a: {  	s1 =	srdreg.scid  }
0x8b: {  	s0 =	sand.u32 $0x1, s1  }
0x8c: {  	s17 =	sshll.u32 s0, $0xA;
	s2 =	sadd.s32 s3, s2  }
0x8d: {  	s2 =	sadd.s32 s2, s17  }
0x8e: {  	[smem:$0x3FC2] =	sst s2  }
0x8f: {  	_ = 	snop  }
0x90: {  	s2 =	sld [smem:$0x3FD0];
	(tm) =	ssettm $0x1  }
0x91: {  	s18 =	sld [smem:$0x3FFB];
	_ =	sdelay $0x3  }
0x92: {  	_ =	strace s18  }
0x93: {  	s3 =	sld [smem:$0x3FFC];
	_ =	sdelay $0x3  }
0x94: {  	_ =	strace s3  }
0x95: {  	s3 =	sld [smem:$0x3FFD];
	_ =	sdelay $0x3  }
0x96: {  	_ =	strace s3  }
0x97: {  	_ =	strace $0x8FFFFFFF  }
0x98: {  	s19 =	sld [smem:$0x3FDB];
	_ =	sdelay $0x1  }
0x99: {  	s4 =	simm.s32 $_scs_section_size  }
0x9a: {  	s5 =	simm.s32 $_size__tile_overlayer_lowered;
	s6 =	simm.s32 $_tile_overlayer_lowered  }
0x9b: {  	s22 =	simm.s32 $0x1BFF;
	s21 =	sshll.u32 s6, $0x1;
	s3 =	sadd.s32 s4, s19  }
0x9c: {  	s7 =	simm.s32 $0x0;
	s20 =	sshll.u32 s5, $0x1;
	s5 =	sadd.s32 s21, s3  }
0x9d: {  	[timem:s7], [sflag:s22] =	dma.local [hbm:s5], s20  }
0x9e: {  	_ =	swait.ge [sflag:s22], s20  }
0x9f: {  	s4 =	ssub.s32 $0x0, s20;
	[sflag:s22] =	ssyncset.done $0x0  }
0xa0: {  	[sflag:s22] =	ssyncadd.s32 s4;
	_ =	sdelay $0x1  }
0xa1: {  	s23 =	simm.s32 $0x1B8B  }
0xa2: {  	_ =	swait.ge [sflag:s23], $0x1  }
0xa3: {  	[sflag:s23] =	ssyncset.done $0x0  }
0xa4: {  	s25 =	simm.s32 $0x1B8E;
	s24 =	sld [smem:$0x3FFE];
	[sflag:s23] =	ssyncadd.s32 $0xFFFFFFFF  }
0xa5: {  	s26 =	simm.s32 $execute0_lowered;
	[smem:$0x3FD2] =	sst s25  }
0xa6: {  	s5 =	sshll.u32 s26, $0x1;
	_ =	strace $0x80000049;
	[dreg:$0x1] =	wrdreg $0xFFFFFFFF  }
0xa7: {  	s28 =	simm.s32 $_size_execute0_lowered;
	s3 =	sadd.s32 s3, s5;
	[dreg:$0x0] =	wrdreg $0x0  }
0xa8: {  	s5 =	sshll.u32 s28, $0x1;
	[dreg:$0x2] =	wrdreg s3  }
0xa9: {  	[dreg:$0x3] =	wrdreg s5  }
0xaa: {  	[dreg:$0x4] =	wrdreg $0xC0  }
0xab: {  	_ =	task [dreg:s7], $0x5FFFF  }
0xac: {  	[dreg:$0x1] =	wrdreg $0xFFFFFFFF  }
0xad: {  	[dreg:$0x0] =	wrdreg $0x60  }
0xae: {  	[dreg:$0x2] =	wrdreg s24  }
0xaf: {  	[dreg:$0x3] =	wrdreg s2  }
0xb0: {  	[dreg:$0x4] =	wrdreg $0x41000  }
0xb1: {  	[dreg:$0x5] =	wrdreg $0x9  }
0xb2: {  	_ =	task.clear_ibuf [dreg:s7], $0x6FFFF;
	_ =	strace $0x90000049  }
0xb3: {  	s29 =	simm.s32 $0x9;
	_ =	strace $0x8000004B  }
0xb4: {  	_ =	swait.ge [sflag:s29], $0x1  }
0xb5: {  	[sflag:s29] =	ssyncadd.s32 $0xFFFFFFFF  }
0xb6: {  	_ =	strace $0x9000004B  }
0xb7: {  	_ =	sfence  }
0xb8: {  	s30 =	sld [smem:$0x0];
	_ =	sdelay $0x2  }
0xb9: {  	s31 =	sshll.u32 s1, $0xD;
	s1 =	sshrl.u32 s1, $0x2  }
0xba: {  	s3 =	sand.u32 $0x4000, s31;
	s1 =	sadd.s32 s1, s30  }
0xbb: {  	s0 =	sor.u32 s3, s0;
	s1 =	sshll.u32 s1, $0x11  }
0xbc: {  	s0 =	sor.u32 s1, s0  }
0xbd: {  	s0 =	sadd.s32 $0x8F2B, s0  }
0xbe: {  	[sflag:s0] =	ssyncadd.remote.s32 $0x1  }
0xbf: {  	_ =	sfence.sel $0xFFFF  }
0xc0: {  	[dreg:$0x0] =	wrdreg $0xFFFFFFFF;
	(pc) =	sbr.abs _section_cstart, $3  }
0xc1: {  	[dreg:$0x1] =	wrdreg $0xFFFFFFFF  }
0xc2: {  	_ =	task.clear_ibuf [dreg:s7], $0x2FFFF;
	_ =	strace $0x9FFFFFFF  }
0xc3: {  	(tm) =	ssettm $0x7FFFFFFF  }
tec
execute0_lowered:
.L_overlay_start_1:
0x0: {  	(tag) =	ssettag $0x1  }
0x1: {  	s5 =	rddreg [dreg:$0x0]  }
0x2: {  	s10 =	rddreg [dreg:$0x1]  }
0x3: {  	s2 =	rddreg [dreg:$0x2]  }
0x4: {  	s0 =	rddreg [dreg:$0x3];
	s1 =	stileid.u32  }
0x5: {  	s4 =	srdreg.scid;
	s6 =	smul.u32 $0x46, s1  }
0x6: {  	s3 =	simm.s32 $0x0;
	s7 =	sand.u32 $0x1, s4;
	s4 =	smul.u32 $0x58, s1  }
0x7: {  	s16 =	simm.s32 $0x1;
	s17 =	simm.s32 $0x0;
	s8 =	smul.u32 $0x14000, s1  }
0x8: {  	[smem:$0x7FF] =	sst s3;
	s13 =	smul.u32 $0x50000, s1;
	s31 =	sshll.u32 s1, $0x6  }
0x9: {  	p0 =	seq.s32 s7, $0x0;
	_ =	strace $0x8000004A;
	s29 =	smul.u32 $0x140000, s7  }
0xa: {  	s7 =	ssub.s32 $0x2, s7;
	s6 =	sadd.s32 $0x580, s6;
	s9 =	sshrl.u32 s8, $0x3  }
0xb: {  	s30 =	sshrl.u32 s7, $0x1;
	s13 =	sshrl.u32 s13, $0x2;
	s6 =	smov.u32 @p0 s4  }
0xc: {  	s4 =	sadd.s32 $0xCE00, s5;
	s9 =	sadd.s32 s9, s5;
	s15 =	ssub.s32 s7, s30  }
0xd: {  	s13 =	sadd.s32 s13, s2;
	s11 =	sshll.u32 s6, $0x4;
	s6 =	sadd.s32 s8, s29  }
0xe: {  	s7 =	sor.u32 $0x1C02, s31;
	s12 =	sadd.s32 s11, s5;
	s6 =	sshrl.u32 s6, $0x3  }
0xf: {  	s10 =	sadd.s32 s11, s10;
	s14 =	sadd.s32 s6, s5;
	s5 =	sadd.s32 $0x34000, s9  }
0x10: {  	s6 =	simm.s32 $0x58;
	s9 =	smax.u32 s15, $0x1;
	s11 =	sadd.s32 $0x3000, s12  }
0x11: {  	s12 =	sshrl.u32 s13, $0x3;
	s13 =	simm.s32 $0x2;
	s15 =	simm.s32 $0x100  }
0x12: {  	s6 =	simm.s32 @!p0 $0x46;
	s8 =	sadd.s32 $0x5C000, s14;
	s14 =	simm.s32 $0x80  }
.LBB2_1:
0x13: {  	[spmem:s12], [sflag:s7] =	dma.local [hbm:s5], $0x2800  }
0x14: {  	_ =	swait.ge [sflag:s13], $0x2800  }
0x15: {  	[sflag:s13] =	ssyncset.done $0x0  }
0x16: {  	[sflag:s13] =	ssyncadd.s32 $0xFFFFD800  }
0x17: {  	[bflag:$0x0] =	sbarrier.arrive $0xFFFF  }
0x18: {  	[bflag:$0x0] =	sbarrier.arrive $0xFFFF  }
0x19: {  	[tilespmem:s3], [sflag:$0x2] =	stream.linear.gather [hbm4b:s11+s3], $0x80, $0x38;
	[tilespmem:$0x18100] =	vst v63  }
0x1a: {  	_ =	swait.ge [sflag:s13], $0x80  }
0x1b: {  	[sflag:s13] =	ssyncset.done $0x0  }
0x1c: {  	[sflag:s13] =	ssyncadd.s32 $0xFFFFFF80  }
0x1d: {  	[tilespmem:s14], [sflag:$0x2] =	stream.linear.gather [hbm4b:s10+s3], $0x80, $0x38;
	[tilespmem:$0x18100] =	vst v63  }
0x1e: {  	_ =	swait.ge [sflag:s13], $0x80  }
0x1f: {  	[sflag:s13] =	ssyncset.done $0x0  }
0x20: {  	[sflag:s13] =	ssyncadd.s32 $0xFFFFFF80  }
0x21: {  	[tilespmem:s15], [sflag:$0x1] =	stream.indirect.gather [hbm4b:s4+s14], $0x80, s3, s14, $0xb8;
	[tilespmem:$0x18100] =	vst v63  }
0x22: {  	p0 =	sne.s32 s6, $0x1;
	_ =	swait.ge [sflag:s16], $0x4000  }
.Ltmp0:
0x23: {  	[sflag:s16] =	ssyncset.done $0x0;
	(pc) =	sbr.rel @!p0 .LBB2_3-.Ltmp0, $4  }
0x24: {  	[sflag:s16] =	ssyncadd.s32 $0xFFFFC000  }
0x25: {  	[spmem:s2] =	stream.indirect.scatter.add.f32 [tilespmem:s15], [sflag:$0x2], $0x80, s14, s14, $0xb8;
	[tilespmem:$0x18100] =	vst v63  }
0x26: {  	s18 =	sadd.s32 $0xFFFFFFFF, s6;
	_ =	swait.ge [sflag:s13], $0x4000  }
0x27: {  	s19 =	smov.u32 s10;
	s20 =	smov.u32 s11;
	[sflag:s13] =	ssyncset.done $0x0  }
.LBB2_2:
0x28: {  	[sflag:s13] =	ssyncadd.s32 $0xFFFFC000;
	s19 =	sadd.s32 $0x10, s19;
	s20 =	sadd.s32 $0x10, s20  }
0x29: {  	[tilespmem:s3], [sflag:$0x2] =	stream.linear.gather [hbm4b:s20+s3], $0x80, $0x38;
	[tilespmem:$0x18100] =	vst v63  }
0x2a: {  	p0 =	sne.s32 s18, $0x1;
	s18 =	sadd.s32 $0xFFFFFFFF, s18;
	_ =	swait.ge [sflag:s13], $0x80  }
0x2b: {  	[sflag:s13] =	ssyncset.done $0x0  }
0x2c: {  	[sflag:s13] =	ssyncadd.s32 $0xFFFFFF80  }
0x2d: {  	[tilespmem:s14], [sflag:$0x2] =	stream.linear.gather [hbm4b:s19+s3], $0x80, $0x38;
	[tilespmem:$0x18100] =	vst v63  }
0x2e: {  	_ =	swait.ge [sflag:s13], $0x80  }
0x2f: {  	[sflag:s13] =	ssyncset.done $0x0  }
0x30: {  	[sflag:s13] =	ssyncadd.s32 $0xFFFFFF80  }
0x31: {  	[tilespmem:s15], [sflag:$0x1] =	stream.indirect.gather [hbm4b:s4+s14], $0x80, s3, s14, $0xb8;
	[tilespmem:$0x18100] =	vst v63  }
0x32: {  	_ =	swait.ge [sflag:s16], $0x4000  }
.Ltmp1:
0x33: {  	[sflag:s16] =	ssyncset.done $0x0;
	(pc) =	sbr.rel @p0 .LBB2_2-.Ltmp1, $4  }
0x34: {  	[sflag:s16] =	ssyncadd.s32 $0xFFFFC000  }
0x35: {  	[spmem:s2] =	stream.indirect.scatter.add.f32 [tilespmem:s15], [sflag:$0x2], $0x80, s14, s14, $0xb8;
	[tilespmem:$0x18100] =	vst v63  }
0x36: {  	_ =	swait.ge [sflag:s13], $0x4000  }
0x37: {  	[sflag:s13] =	ssyncset.done $0x0  }
.LBB2_3:
0x38: {  	[sflag:s13] =	ssyncadd.s32 $0xFFFFC000;
	s17 =	sadd.s32 $0x1, s17  }
0x39: {  	[bflag:$0x0] =	sbarrier.arrive $0xFFFF;
	p0 =	sne.s32 s17, s9  }
.Ltmp2:
0x3a: {  	[bflag:$0x0] =	sbarrier.arrive $0xFFFF;
	(pc) =	sbr.rel @p0 .LBB2_1-.Ltmp2, $4  }
0x3b: {  	[hbm:s8], [sflag:s7] =	dma.local [spmem:s12], $0x2800  }
0x3c: {  	_ =	swait.ge [sflag:s13], $0x2800  }
0x3d: {  	[sflag:s13] =	ssyncset.done $0x0  }
0x3e: {  	[sflag:s13] =	ssyncadd.s32 $0xFFFFD800  }
0x3f: {  	_ =	sfence.sel $0x180000  }
0x40: {  	[bflag:$0x0] =	sbarrier.arrive $0xFFFF  }
0x41: {  	p0 =	sne.s32 s1, $0x0;
	_ =	strace $0x9000004A  }
0x42: {  	s0 =	sadd.s32 @!p0 $0x100000, s0;
	[bflag:$0x2] =	sbarrier.arrive $0xFFFF  }
0x43: {  	[sflag:s0] =	ssyncadd.tile.s32 @!p0 $0x1;
	_ =	shalt  }
.Lfunc_end2:
_tile_overlayer_lowered:
.L_overlay_start_2:
0x44: {  	(tag) =	ssettag $0x2  }
0x45: {  	s0 =	rddreg [dreg:$0x0];
	s2 =	stileid.u32  }
0x46: {  	s1 =	rddreg [dreg:$0x1];
	p0 =	sne.s32 s2, $0x0  }
0x47: {  	s3 =	rddreg [dreg:$0x2];
	[bflag:$0x3] =	sbarrier.arrive $0xFFFF;
	s2 =	simm.s32 @!p0 $0x1C02  }
0x48: {  	[timem:s3], [sflag:s2] =	dma.local @!p0 [hbm:s0], s1  }
0x49: {  	s0 =	simm.s32 @!p0 $0x2  }
0x4a: {  	_ =	swait.ge @!p0 [sflag:s0], s1  }
0x4b: {  	s1 =	ssub.s32 @!p0 $0x0, s1;
	[sflag:s0] =	ssyncset.done @!p0 $0x0  }
0x4c: {  	[sflag:s0] =	ssyncadd.s32 @!p0 s1  }
0x4d: {  	[bflag:$0x3] =	sbarrier.arrive $0xFFFF  }
0x4e: {  	_ =	shalt  }

// kernel: kernel.14.cloned.1.call-start
scs
__scs_entry_jumppad:
0x0: {  	(pc) =	sbr.rel $0x88, $3  }
0x1: {  	(tag) =	ssettag $0x0;
	lr =	simm.s32 $0x1  }
0x2: {  	[smem:$0x3F9B] =	sst lr;
	_ =	strace $0xD0000000  }
0x3: {  	_ = 	snop  }
0x4: {  	_ = 	snop  }
0x5: {  	_ = 	snop  }
0x6: {  	_ = 	snop  }
0x7: {  	_ = 	snop  }
__scs_overlays_trampoline_lowered:
0x8: {  	[smem:$0x3FAA] =	sst s0  }
0x9: {  	[smem:$0x3FAB] =	sst s1  }
0xa: {  	[smem:$0x3FAC] =	sst s2  }
0xb: {  	[smem:$0x3FAD] =	sst s3  }
0xc: {  	[smem:$0x3FAE] =	sst s4  }
0xd: {  	[smem:$0x3FAF] =	sst s5  }
0xe: {  	[smem:$0x3FB0] =	sst s6  }
0xf: {  	[smem:$0x3FB1] =	sst s7  }
0x10: {  	[smem:$0x3FB2] =	sst s8  }
0x11: {  	[smem:$0x3FB3] =	sst s9;
	s0 =	simm.s32 @!p0 $0x0  }
0x12: {  	s1 =	sld [smem:$0x3F99];
	s0 =	simm.s32 @p0 $0x1  }
0x13: {  	[smem:$0x3FB4] =	sst s0;
	s0 =	simm.s32 @!p1 $0x0  }
0x14: {  	s2 =	sld [smem:$0x3F98];
	s0 =	simm.s32 @p1 $0x1  }
0x15: {  	[smem:$0x3FB5] =	sst s0;
	s0 =	simm.s32 @!p2 $0x0  }
0x16: {  	s3 =	sld [smem:$0x3FDB];
	s0 =	simm.s32 @p2 $0x1  }
0x17: {  	s4 =	simm.s32 $0x1BF5;
	[smem:$0x3FB7] =	sst s0  }
0x18: {  	s0 =	sld [smem:$0x3F9A];
	_ =	swait.ge [sflag:s4], $0x0  }
0x19: {  	s7 =	sld [smem:$0x3F9B]  }
0x1a: {  	s8 =	sadd.s32 $0xFFFFE003, lr  }
0x1b: {  	s9 =	sadd.s32 $0xFFFFFEF7, lr;
	s5 =	simm.s32 $0xFFFFFFFF;
	p2 =	slt.u32 s8, $0xFFFFF086  }
0x1c: {  	p1 =	slt.u32 s9, $0xF7A;
	s5 =	simm.s32 @!p2 $0x0  }
0x1d: {  	s5 =	simm.s32 @p1 $0x1;
	p0 =	seq.s32 s7, s2  }
0x1e: {  	s7 =	smul.u32 @!p0 $0xF7A, s2;
	p2 =	seq.s32 @!p0 s5, $0x0  }
0x1f: {  	s9 =	smul.u32 $0xF7A, s1;
	s8 =	simm.s32 @!p0 $0x1BF5;
	p2 =	por !p2, p0  }
0x20: {  	[sflag:s8] =	ssyncset.s32 @!p0 $0xFFFFF086;
	s6 =	sadd.s32 @!p0 s3, s7;
	s7 =	simm.s32 @!p0 $0x108  }
0x21: {  	s3 =	sadd.s32 s3, s9;
	s6 =	sadd.s32 @!p0 $0x88, s6;
	s7 =	simm.s32 @p2 $0x1082  }
0x22: {  	[simem:s7], [sflag:s8] =	dma.local @!p0 [hbm:s6], $0xF7A  }
0x23: {  	s9 =	sor.u32 $0xD0000000, s2;
	s6 =	simm.s32 $0x108;
	_ =	swait.ge @!p0 [sflag:s8], $0x0  }
0x24: {  	s3 =	sadd.s32 $0x88, s3;
	s6 =	simm.s32 @!p1 $0x1082;
	[sflag:s4] =	ssyncset.s32 $0xFFFFF086  }
0x25: {  	[simem:s6], [sflag:s4] =	dma.local [hbm:s3], $0xF7A  }
0x26: {  	[smem:$0x3F9B] =	sst s1;
	(tag) =	ssettag s2;
	_ =	strace s9  }
0x27: {  	s1 =	sld [smem:$0x3FAB]  }
0x28: {  	s2 =	sld [smem:$0x3FAC]  }
0x29: {  	s4 =	sld [smem:$0x3FAE]  }
0x2a: {  	p0 =	seq.s32 s5, $0x0;
	s5 =	sld [smem:$0x3FAF]  }
0x2b: {  	s6 =	sld [smem:$0x3FB0]  }
0x2c: {  	s7 =	sld [smem:$0x3FB1]  }
0x2d: {  	s3 =	simm.s32 $0x108;
	s8 =	sld [smem:$0x3FB2]  }
0x2e: {  	s3 =	simm.s32 @!p0 $0x1082;
	s9 =	sld [smem:$0x3FB3]  }
0x2f: {  	lr =	sadd.s32 s0, s3;
	s0 =	sld [smem:$0x3FAA]  }
0x30: {  	s3 =	sld [smem:$0x3FAD]  }
0x31: {  	[smem:$0x3FB6] =	sst s10  }
0x32: {  	s10 =	sld [smem:$0x3FB4];
	_ =	sdelay $0x3  }
0x33: {  	p0 =	seq.s32 s10, $0x1;
	s10 =	sld [smem:$0x3FB6];
	_ =	sdelay $0x3  }
0x34: {  	[smem:$0x3FB6] =	sst s10  }
0x35: {  	s10 =	sld [smem:$0x3FB5];
	_ =	sdelay $0x3  }
0x36: {  	p1 =	seq.s32 s10, $0x1;
	s10 =	sld [smem:$0x3FB6];
	_ =	sdelay $0x3  }
0x37: {  	[smem:$0x3FB6] =	sst s10  }
0x38: {  	s10 =	sld [smem:$0x3FB7]  }
0x39: {  	_ = 	snop;
	(pc) =	sbr.ind lr, $3  }
0x3a: {  	_ = 	snop  }
0x3b: {  	_ = 	snop  }
0x3c: {  	p2 =	seq.s32 s10, $0x1;
	s10 =	sld [smem:$0x3FB6]  }
0x3d: {  	_ =	shalt  }
0x3e: {  	_ =	shalt  }
0x3f: {  	_ =	shalt  }
0x40: {  	_ =	shalt  }
0x41: {  	_ =	shalt  }
0x42: {  	_ =	shalt  }
0x43: {  	_ =	shalt  }
0x44: {  	_ =	shalt  }
0x45: {  	_ =	shalt  }
0x46: {  	_ =	shalt  }
0x47: {  	_ =	shalt  }
0x48: {  	_ =	shalt  }
0x49: {  	_ =	shalt  }
0x4a: {  	_ =	shalt  }
0x4b: {  	_ =	shalt  }
0x4c: {  	_ =	shalt  }
0x4d: {  	_ =	shalt  }
0x4e: {  	_ =	shalt  }
0x4f: {  	_ =	shalt  }
0x50: {  	_ =	shalt  }
0x51: {  	_ =	shalt  }
0x52: {  	_ =	shalt  }
0x53: {  	_ =	shalt  }
0x54: {  	_ =	shalt  }
0x55: {  	_ =	shalt  }
0x56: {  	_ =	shalt  }
0x57: {  	_ =	shalt  }
0x58: {  	_ =	shalt  }
0x59: {  	_ =	shalt  }
0x5a: {  	_ =	shalt  }
0x5b: {  	_ =	shalt  }
0x5c: {  	_ =	shalt  }
0x5d: {  	_ =	shalt  }
0x5e: {  	_ =	shalt  }
0x5f: {  	_ =	shalt  }
0x60: {  	_ =	shalt  }
0x61: {  	_ =	shalt  }
0x62: {  	_ =	shalt  }
0x63: {  	_ =	shalt  }
0x64: {  	_ =	shalt  }
0x65: {  	_ =	shalt  }
0x66: {  	_ =	shalt  }
0x67: {  	_ =	shalt  }
0x68: {  	_ =	shalt  }
0x69: {  	_ =	shalt  }
0x6a: {  	_ =	shalt  }
0x6b: {  	_ =	shalt  }
0x6c: {  	_ =	shalt  }
0x6d: {  	_ =	shalt  }
0x6e: {  	_ =	shalt  }
0x6f: {  	_ =	shalt  }
0x70: {  	_ =	shalt  }
0x71: {  	_ =	shalt  }
0x72: {  	_ =	shalt  }
0x73: {  	_ =	shalt  }
0x74: {  	_ =	shalt  }
0x75: {  	_ =	shalt  }
0x76: {  	_ =	shalt  }
0x77: {  	_ =	shalt  }
0x78: {  	_ =	shalt  }
0x79: {  	_ =	shalt  }
0x7a: {  	_ =	shalt  }
0x7b: {  	_ =	shalt  }
0x7c: {  	_ =	shalt  }
0x7d: {  	_ =	shalt  }
0x7e: {  	_ =	shalt  }
0x7f: {  	_ =	shalt  }
0x80: {  	_ =	shalt  }
0x81: {  	_ =	shalt  }
0x82: {  	_ =	shalt  }
0x83: {  	_ =	shalt  }
0x84: {  	_ =	shalt  }
0x85: {  	_ =	shalt  }
0x86: {  	_ =	shalt  }
0x87: {  	_ =	shalt  }
.Lfunc_end0:
.L_simem_size_0:
called_computation.2_lowered:
.L_overlay_start_0:
0x88: {  	s2 =	sld [smem:$0x3FD9]  }
0x89: {  	s3 =	sld [smem:$0x3FFE];
	_ =	sdelay $0x1  }
0x8a: {  	s1 =	srdreg.scid  }
0x8b: {  	s0 =	sand.u32 $0x1, s1  }
0x8c: {  	s17 =	sshll.u32 s0, $0xA;
	s2 =	sadd.s32 s3, s2  }
0x8d: {  	s2 =	sadd.s32 s2, s17  }
0x8e: {  	[smem:$0x3FC2] =	sst s2  }
0x8f: {  	_ = 	snop  }
0x90: {  	s2 =	sld [smem:$0x3FD0];
	(tm) =	ssettm $0x1  }
0x91: {  	s18 =	sld [smem:$0x3FFB];
	_ =	sdelay $0x3  }
0x92: {  	_ =	strace s18  }
0x93: {  	s3 =	sld [smem:$0x3FFC];
	_ =	sdelay $0x3  }
0x94: {  	_ =	strace s3  }
0x95: {  	s3 =	sld [smem:$0x3FFD];
	_ =	sdelay $0x3  }
0x96: {  	_ =	strace s3  }
0x97: {  	_ =	strace $0x8FFFFFFF  }
0x98: {  	s19 =	sld [smem:$0x3FDB];
	_ =	sdelay $0x1  }
0x99: {  	s4 =	simm.s32 $_scs_section_size  }
0x9a: {  	s5 =	simm.s32 $_size__tile_overlayer_lowered;
	s6 =	simm.s32 $_tile_overlayer_lowered  }
0x9b: {  	s22 =	simm.s32 $0x1BFF;
	s21 =	sshll.u32 s6, $0x1;
	s3 =	sadd.s32 s4, s19  }
0x9c: {  	s7 =	simm.s32 $0x0;
	s20 =	sshll.u32 s5, $0x1;
	s5 =	sadd.s32 s21, s3  }
0x9d: {  	[timem:s7], [sflag:s22] =	dma.local [hbm:s5], s20  }
0x9e: {  	_ =	swait.ge [sflag:s22], s20  }
0x9f: {  	s4 =	ssub.s32 $0x0, s20;
	[sflag:s22] =	ssyncset.done $0x0  }
0xa0: {  	[sflag:s22] =	ssyncadd.s32 s4;
	_ =	sdelay $0x1  }
0xa1: {  	s23 =	simm.s32 $0x1B8B  }
0xa2: {  	_ =	swait.ge [sflag:s23], $0x1  }
0xa3: {  	[sflag:s23] =	ssyncset.done $0x0  }
0xa4: {  	s25 =	simm.s32 $0x1B8E;
	s24 =	sld [smem:$0x3FFE];
	[sflag:s23] =	ssyncadd.s32 $0xFFFFFFFF  }
0xa5: {  	s26 =	simm.s32 $execute0_lowered;
	[smem:$0x3FD2] =	sst s25  }
0xa6: {  	s5 =	sshll.u32 s26, $0x1;
	_ =	strace $0x8000004C;
	[dreg:$0x1] =	wrdreg $0xFFFFFFFF  }
0xa7: {  	s28 =	simm.s32 $_size_execute0_lowered;
	s3 =	sadd.s32 s3, s5;
	[dreg:$0x0] =	wrdreg $0x0  }
0xa8: {  	s5 =	sshll.u32 s28, $0x1;
	[dreg:$0x2] =	wrdreg s3  }
0xa9: {  	[dreg:$0x3] =	wrdreg s5  }
0xaa: {  	[dreg:$0x4] =	wrdreg $0xC0  }
0xab: {  	_ =	task [dreg:s7], $0x5FFFF  }
0xac: {  	[dreg:$0x1] =	wrdreg $0xFFFFFFFF  }
0xad: {  	[dreg:$0x0] =	wrdreg $0x60  }
0xae: {  	[dreg:$0x2] =	wrdreg s24  }
0xaf: {  	[dreg:$0x3] =	wrdreg s2  }
0xb0: {  	[dreg:$0x4] =	wrdreg $0x41000  }
0xb1: {  	[dreg:$0x5] =	wrdreg $0x9  }
0xb2: {  	_ =	task.clear_ibuf [dreg:s7], $0x6FFFF;
	_ =	strace $0x9000004C  }
0xb3: {  	s29 =	simm.s32 $0x9;
	_ =	strace $0x8000004E  }
0xb4: {  	_ =	swait.ge [sflag:s29], $0x1  }
0xb5: {  	[sflag:s29] =	ssyncadd.s32 $0xFFFFFFFF  }
0xb6: {  	_ =	strace $0x9000004E  }
0xb7: {  	_ =	sfence  }
0xb8: {  	s30 =	sld [smem:$0x0];
	_ =	sdelay $0x2  }
0xb9: {  	s31 =	sshll.u32 s1, $0xD;
	s1 =	sshrl.u32 s1, $0x2  }
0xba: {  	s3 =	sand.u32 $0x4000, s31;
	s1 =	sadd.s32 s1, s30  }
0xbb: {  	s0 =	sor.u32 s3, s0;
	s1 =	sshll.u32 s1, $0x11  }
0xbc: {  	s0 =	sor.u32 s1, s0  }
0xbd: {  	s0 =	sadd.s32 $0x8F2B, s0  }
0xbe: {  	[sflag:s0] =	ssyncadd.remote.s32 $0x1  }
0xbf: {  	_ =	sfence.sel $0xFFFF  }
0xc0: {  	[dreg:$0x0] =	wrdreg $0xFFFFFFFF;
	(pc) =	sbr.abs _section_cstart, $3  }
0xc1: {  	[dreg:$0x1] =	wrdreg $0xFFFFFFFF  }
0xc2: {  	_ =	task.clear_ibuf [dreg:s7], $0x2FFFF;
	_ =	strace $0x9FFFFFFF  }
0xc3: {  	(tm) =	ssettm $0x7FFFFFFF  }
tec
execute0_lowered:
.L_overlay_start_1:
0x0: {  	(tag) =	ssettag $0x1  }
0x1: {  	s5 =	rddreg [dreg:$0x0]  }
0x2: {  	s10 =	rddreg [dreg:$0x1]  }
0x3: {  	s2 =	rddreg [dreg:$0x2]  }
0x4: {  	s0 =	rddreg [dreg:$0x3];
	s1 =	stileid.u32  }
0x5: {  	s4 =	srdreg.scid;
	s6 =	smul.u32 $0x46, s1  }
0x6: {  	s3 =	simm.s32 $0x0;
	s7 =	sand.u32 $0x1, s4;
	s4 =	smul.u32 $0x58, s1  }
0x7: {  	s16 =	simm.s32 $0x1;
	s17 =	simm.s32 $0x0;
	s8 =	smul.u32 $0x14000, s1  }
0x8: {  	[smem:$0x7FF] =	sst s3;
	s13 =	smul.u32 $0x50000, s1;
	s31 =	sshll.u32 s1, $0x6  }
0x9: {  	p0 =	seq.s32 s7, $0x0;
	_ =	strace $0x8000004D;
	s29 =	smul.u32 $0x140000, s7  }
0xa: {  	s7 =	ssub.s32 $0x2, s7;
	s6 =	sadd.s32 $0x580, s6;
	s9 =	sshrl.u32 s8, $0x3  }
0xb: {  	s30 =	sshrl.u32 s7, $0x1;
	s13 =	sshrl.u32 s13, $0x2;
	s6 =	smov.u32 @p0 s4  }
0xc: {  	s4 =	sadd.s32 $0xCE00, s5;
	s9 =	sadd.s32 s9, s5;
	s15 =	ssub.s32 s7, s30  }
0xd: {  	s13 =	sadd.s32 s13, s2;
	s11 =	sshll.u32 s6, $0x4;
	s6 =	sadd.s32 s8, s29  }
0xe: {  	s7 =	sor.u32 $0x1C02, s31;
	s12 =	sadd.s32 s11, s5;
	s6 =	sshrl.u32 s6, $0x3  }
0xf: {  	s10 =	sadd.s32 s11, s10;
	s14 =	sadd.s32 s6, s5;
	s5 =	sadd.s32 $0x34000, s9  }
0x10: {  	s6 =	simm.s32 $0x58;
	s9 =	smax.u32 s15, $0x1;
	s11 =	sadd.s32 $0x3000, s12  }
0x11: {  	s12 =	sshrl.u32 s13, $0x3;
	s13 =	simm.s32 $0x2;
	s15 =	simm.s32 $0x100  }
0x12: {  	s6 =	simm.s32 @!p0 $0x46;
	s8 =	sadd.s32 $0x5C000, s14;
	s14 =	simm.s32 $0x80  }
.LBB2_1:
0x13: {  	[spmem:s12], [sflag:s7] =	dma.local [hbm:s5], $0x2800  }
0x14: {  	_ =	swait.ge [sflag:s13], $0x2800  }
0x15: {  	[sflag:s13] =	ssyncset.done $0x0  }
0x16: {  	[sflag:s13] =	ssyncadd.s32 $0xFFFFD800  }
0x17: {  	[bflag:$0x0] =	sbarrier.arrive $0xFFFF  }
0x18: {  	[bflag:$0x0] =	sbarrier.arrive $0xFFFF  }
0x19: {  	[tilespmem:s3], [sflag:$0x2] =	stream.linear.gather [hbm4b:s11+s3], $0x80, $0x38;
	[tilespmem:$0x18100] =	vst v63  }
0x1a: {  	_ =	swait.ge [sflag:s13], $0x80  }
0x1b: {  	[sflag:s13] =	ssyncset.done $0x0  }
0x1c: {  	[sflag:s13] =	ssyncadd.s32 $0xFFFFFF80  }
0x1d: {  	[tilespmem:s14], [sflag:$0x2] =	stream.linear.gather [hbm4b:s10+s3], $0x80, $0x38;
	[tilespmem:$0x18100] =	vst v63  }
0x1e: {  	_ =	swait.ge [sflag:s13], $0x80  }
0x1f: {  	[sflag:s13] =	ssyncset.done $0x0  }
0x20: {  	[sflag:s13] =	ssyncadd.s32 $0xFFFFFF80  }
0x21: {  	[tilespmem:s15], [sflag:$0x1] =	stream.indirect.gather [hbm4b:s4+s14], $0x80, s3, s14, $0xb8;
	[tilespmem:$0x18100] =	vst v63  }
0x22: {  	p0 =	sne.s32 s6, $0x1;
	_ =	swait.ge [sflag:s16], $0x4000  }
.Ltmp0:
0x23: {  	[sflag:s16] =	ssyncset.done $0x0;
	(pc) =	sbr.rel @!p0 .LBB2_3-.Ltmp0, $4  }
0x24: {  	[sflag:s16] =	ssyncadd.s32 $0xFFFFC000  }
0x25: {  	[spmem:s2] =	stream.indirect.scatter.add.f32 [tilespmem:s15], [sflag:$0x2], $0x80, s14, s14, $0xb8;
	[tilespmem:$0x18100] =	vst v63  }
0x26: {  	s18 =	sadd.s32 $0xFFFFFFFF, s6;
	_ =	swait.ge [sflag:s13], $0x4000  }
0x27: {  	s19 =	smov.u32 s10;
	s20 =	smov.u32 s11;
	[sflag:s13] =	ssyncset.done $0x0  }
.LBB2_2:
0x28: {  	[sflag:s13] =	ssyncadd.s32 $0xFFFFC000;
	s19 =	sadd.s32 $0x10, s19;
	s20 =	sadd.s32 $0x10, s20  }
0x29: {  	[tilespmem:s3], [sflag:$0x2] =	stream.linear.gather [hbm4b:s20+s3], $0x80, $0x38;
	[tilespmem:$0x18100] =	vst v63  }
0x2a: {  	p0 =	sne.s32 s18, $0x1;
	s18 =	sadd.s32 $0xFFFFFFFF, s18;
	_ =	swait.ge [sflag:s13], $0x80  }
0x2b: {  	[sflag:s13] =	ssyncset.done $0x0  }
0x2c: {  	[sflag:s13] =	ssyncadd.s32 $0xFFFFFF80  }
0x2d: {  	[tilespmem:s14], [sflag:$0x2] =	stream.linear.gather [hbm4b:s19+s3], $0x80, $0x38;
	[tilespmem:$0x18100] =	vst v63  }
0x2e: {  	_ =	swait.ge [sflag:s13], $0x80  }
0x2f: {  	[sflag:s13] =	ssyncset.done $0x0  }
0x30: {  	[sflag:s13] =	ssyncadd.s32 $0xFFFFFF80  }
0x31: {  	[tilespmem:s15], [sflag:$0x1] =	stream.indirect.gather [hbm4b:s4+s14], $0x80, s3, s14, $0xb8;
	[tilespmem:$0x18100] =	vst v63  }
0x32: {  	_ =	swait.ge [sflag:s16], $0x4000  }
.Ltmp1:
0x33: {  	[sflag:s16] =	ssyncset.done $0x0;
	(pc) =	sbr.rel @p0 .LBB2_2-.Ltmp1, $4  }
0x34: {  	[sflag:s16] =	ssyncadd.s32 $0xFFFFC000  }
0x35: {  	[spmem:s2] =	stream.indirect.scatter.add.f32 [tilespmem:s15], [sflag:$0x2], $0x80, s14, s14, $0xb8;
	[tilespmem:$0x18100] =	vst v63  }
0x36: {  	_ =	swait.ge [sflag:s13], $0x4000  }
0x37: {  	[sflag:s13] =	ssyncset.done $0x0  }
.LBB2_3:
0x38: {  	[sflag:s13] =	ssyncadd.s32 $0xFFFFC000;
	s17 =	sadd.s32 $0x1, s17  }
0x39: {  	[bflag:$0x0] =	sbarrier.arrive $0xFFFF;
	p0 =	sne.s32 s17, s9  }
.Ltmp2:
0x3a: {  	[bflag:$0x0] =	sbarrier.arrive $0xFFFF;
	(pc) =	sbr.rel @p0 .LBB2_1-.Ltmp2, $4  }
0x3b: {  	[hbm:s8], [sflag:s7] =	dma.local [spmem:s12], $0x2800  }
0x3c: {  	_ =	swait.ge [sflag:s13], $0x2800  }
0x3d: {  	[sflag:s13] =	ssyncset.done $0x0  }
0x3e: {  	[sflag:s13] =	ssyncadd.s32 $0xFFFFD800  }
0x3f: {  	_ =	sfence.sel $0x180000  }
0x40: {  	[bflag:$0x0] =	sbarrier.arrive $0xFFFF  }
0x41: {  	p0 =	sne.s32 s1, $0x0;
	_ =	strace $0x9000004D  }
0x42: {  	s0 =	sadd.s32 @!p0 $0x100000, s0;
	[bflag:$0x2] =	sbarrier.arrive $0xFFFF  }
0x43: {  	[sflag:s0] =	ssyncadd.tile.s32 @!p0 $0x1;
	_ =	shalt  }
.Lfunc_end2:
_tile_overlayer_lowered:
.L_overlay_start_2:
0x44: {  	(tag) =	ssettag $0x2  }
0x45: {  	s0 =	rddreg [dreg:$0x0];
	s2 =	stileid.u32  }
0x46: {  	s1 =	rddreg [dreg:$0x1];
	p0 =	sne.s32 s2, $0x0  }
0x47: {  	s3 =	rddreg [dreg:$0x2];
	[bflag:$0x3] =	sbarrier.arrive $0xFFFF;
	s2 =	simm.s32 @!p0 $0x1C02  }
0x48: {  	[timem:s3], [sflag:s2] =	dma.local @!p0 [hbm:s0], s1  }
0x49: {  	s0 =	simm.s32 @!p0 $0x2  }
0x4a: {  	_ =	swait.ge @!p0 [sflag:s0], s1  }
0x4b: {  	s1 =	ssub.s32 @!p0 $0x0, s1;
	[sflag:s0] =	ssyncset.done @!p0 $0x0  }
0x4c: {  	[sflag:s0] =	ssyncadd.s32 @!p0 s1  }
0x4d: {  	[bflag:$0x3] =	sbarrier.arrive $0xFFFF  }
0x4e: {  	_ =	shalt  }

// kernel: kernel.8.cloned.1.call-start
scs
__scs_entry_jumppad:
0x0: {  	(pc) =	sbr.rel $0x88, $3  }
0x1: {  	(tag) =	ssettag $0x0;
	lr =	simm.s32 $0x1  }
0x2: {  	[smem:$0x3F9B] =	sst lr;
	_ =	strace $0xD0000000  }
0x3: {  	_ = 	snop  }
0x4: {  	_ = 	snop  }
0x5: {  	_ = 	snop  }
0x6: {  	_ = 	snop  }
0x7: {  	_ = 	snop  }
__scs_overlays_trampoline_lowered:
0x8: {  	[smem:$0x3FAA] =	sst s0  }
0x9: {  	[smem:$0x3FAB] =	sst s1  }
0xa: {  	[smem:$0x3FAC] =	sst s2  }
0xb: {  	[smem:$0x3FAD] =	sst s3  }
0xc: {  	[smem:$0x3FAE] =	sst s4  }
0xd: {  	[smem:$0x3FAF] =	sst s5  }
0xe: {  	[smem:$0x3FB0] =	sst s6  }
0xf: {  	[smem:$0x3FB1] =	sst s7  }
0x10: {  	[smem:$0x3FB2] =	sst s8  }
0x11: {  	[smem:$0x3FB3] =	sst s9;
	s0 =	simm.s32 @!p0 $0x0  }
0x12: {  	s1 =	sld [smem:$0x3F99];
	s0 =	simm.s32 @p0 $0x1  }
0x13: {  	[smem:$0x3FB4] =	sst s0;
	s0 =	simm.s32 @!p1 $0x0  }
0x14: {  	s2 =	sld [smem:$0x3F98];
	s0 =	simm.s32 @p1 $0x1  }
0x15: {  	[smem:$0x3FB5] =	sst s0;
	s0 =	simm.s32 @!p2 $0x0  }
0x16: {  	s3 =	sld [smem:$0x3FDB];
	s0 =	simm.s32 @p2 $0x1  }
0x17: {  	s4 =	simm.s32 $0x1BF5;
	[smem:$0x3FB7] =	sst s0  }
0x18: {  	s0 =	sld [smem:$0x3F9A];
	_ =	swait.ge [sflag:s4], $0x0  }
0x19: {  	s7 =	sld [smem:$0x3F9B]  }
0x1a: {  	s8 =	sadd.s32 $0xFFFFE003, lr  }
0x1b: {  	s9 =	sadd.s32 $0xFFFFFEF7, lr;
	s5 =	simm.s32 $0xFFFFFFFF;
	p2 =	slt.u32 s8, $0xFFFFF086  }
0x1c: {  	p1 =	slt.u32 s9, $0xF7A;
	s5 =	simm.s32 @!p2 $0x0  }
0x1d: {  	s5 =	simm.s32 @p1 $0x1;
	p0 =	seq.s32 s7, s2  }
0x1e: {  	s7 =	smul.u32 @!p0 $0xF7A, s2;
	p2 =	seq.s32 @!p0 s5, $0x0  }
0x1f: {  	s9 =	smul.u32 $0xF7A, s1;
	s8 =	simm.s32 @!p0 $0x1BF5;
	p2 =	por !p2, p0  }
0x20: {  	[sflag:s8] =	ssyncset.s32 @!p0 $0xFFFFF086;
	s6 =	sadd.s32 @!p0 s3, s7;
	s7 =	simm.s32 @!p0 $0x108  }
0x21: {  	s3 =	sadd.s32 s3, s9;
	s6 =	sadd.s32 @!p0 $0x88, s6;
	s7 =	simm.s32 @p2 $0x1082  }
0x22: {  	[simem:s7], [sflag:s8] =	dma.local @!p0 [hbm:s6], $0xF7A  }
0x23: {  	s9 =	sor.u32 $0xD0000000, s2;
	s6 =	simm.s32 $0x108;
	_ =	swait.ge @!p0 [sflag:s8], $0x0  }
0x24: {  	s3 =	sadd.s32 $0x88, s3;
	s6 =	simm.s32 @!p1 $0x1082;
	[sflag:s4] =	ssyncset.s32 $0xFFFFF086  }
0x25: {  	[simem:s6], [sflag:s4] =	dma.local [hbm:s3], $0xF7A  }
0x26: {  	[smem:$0x3F9B] =	sst s1;
	(tag) =	ssettag s2;
	_ =	strace s9  }
0x27: {  	s1 =	sld [smem:$0x3FAB]  }
0x28: {  	s2 =	sld [smem:$0x3FAC]  }
0x29: {  	s4 =	sld [smem:$0x3FAE]  }
0x2a: {  	p0 =	seq.s32 s5, $0x0;
	s5 =	sld [smem:$0x3FAF]  }
0x2b: {  	s6 =	sld [smem:$0x3FB0]  }
0x2c: {  	s7 =	sld [smem:$0x3FB1]  }
0x2d: {  	s3 =	simm.s32 $0x108;
	s8 =	sld [smem:$0x3FB2]  }
0x2e: {  	s3 =	simm.s32 @!p0 $0x1082;
	s9 =	sld [smem:$0x3FB3]  }
0x2f: {  	lr =	sadd.s32 s0, s3;
	s0 =	sld [smem:$0x3FAA]  }
0x30: {  	s3 =	sld [smem:$0x3FAD]  }
0x31: {  	[smem:$0x3FB6] =	sst s10  }
0x32: {  	s10 =	sld [smem:$0x3FB4];
	_ =	sdelay $0x3  }
0x33: {  	p0 =	seq.s32 s10, $0x1;
	s10 =	sld [smem:$0x3FB6];
	_ =	sdelay $0x3  }
0x34: {  	[smem:$0x3FB6] =	sst s10  }
0x35: {  	s10 =	sld [smem:$0x3FB5];
	_ =	sdelay $0x3  }
0x36: {  	p1 =	seq.s32 s10, $0x1;
	s10 =	sld [smem:$0x3FB6];
	_ =	sdelay $0x3  }
0x37: {  	[smem:$0x3FB6] =	sst s10  }
0x38: {  	s10 =	sld [smem:$0x3FB7]  }
0x39: {  	_ = 	snop;
	(pc) =	sbr.ind lr, $3  }
0x3a: {  	_ = 	snop  }
0x3b: {  	_ = 	snop  }
0x3c: {  	p2 =	seq.s32 s10, $0x1;
	s10 =	sld [smem:$0x3FB6]  }
0x3d: {  	_ =	shalt  }
0x3e: {  	_ =	shalt  }
0x3f: {  	_ =	shalt  }
0x40: {  	_ =	shalt  }
0x41: {  	_ =	shalt  }
0x42: {  	_ =	shalt  }
0x43: {  	_ =	shalt  }
0x44: {  	_ =	shalt  }
0x45: {  	_ =	shalt  }
0x46: {  	_ =	shalt  }
0x47: {  	_ =	shalt  }
0x48: {  	_ =	shalt  }
0x49: {  	_ =	shalt  }
0x4a: {  	_ =	shalt  }
0x4b: {  	_ =	shalt  }
0x4c: {  	_ =	shalt  }
0x4d: {  	_ =	shalt  }
0x4e: {  	_ =	shalt  }
0x4f: {  	_ =	shalt  }
0x50: {  	_ =	shalt  }
0x51: {  	_ =	shalt  }
0x52: {  	_ =	shalt  }
0x53: {  	_ =	shalt  }
0x54: {  	_ =	shalt  }
0x55: {  	_ =	shalt  }
0x56: {  	_ =	shalt  }
0x57: {  	_ =	shalt  }
0x58: {  	_ =	shalt  }
0x59: {  	_ =	shalt  }
0x5a: {  	_ =	shalt  }
0x5b: {  	_ =	shalt  }
0x5c: {  	_ =	shalt  }
0x5d: {  	_ =	shalt  }
0x5e: {  	_ =	shalt  }
0x5f: {  	_ =	shalt  }
0x60: {  	_ =	shalt  }
0x61: {  	_ =	shalt  }
0x62: {  	_ =	shalt  }
0x63: {  	_ =	shalt  }
0x64: {  	_ =	shalt  }
0x65: {  	_ =	shalt  }
0x66: {  	_ =	shalt  }
0x67: {  	_ =	shalt  }
0x68: {  	_ =	shalt  }
0x69: {  	_ =	shalt  }
0x6a: {  	_ =	shalt  }
0x6b: {  	_ =	shalt  }
0x6c: {  	_ =	shalt  }
0x6d: {  	_ =	shalt  }
0x6e: {  	_ =	shalt  }
0x6f: {  	_ =	shalt  }
0x70: {  	_ =	shalt  }
0x71: {  	_ =	shalt  }
0x72: {  	_ =	shalt  }
0x73: {  	_ =	shalt  }
0x74: {  	_ =	shalt  }
0x75: {  	_ =	shalt  }
0x76: {  	_ =	shalt  }
0x77: {  	_ =	shalt  }
0x78: {  	_ =	shalt  }
0x79: {  	_ =	shalt  }
0x7a: {  	_ =	shalt  }
0x7b: {  	_ =	shalt  }
0x7c: {  	_ =	shalt  }
0x7d: {  	_ =	shalt  }
0x7e: {  	_ =	shalt  }
0x7f: {  	_ =	shalt  }
0x80: {  	_ =	shalt  }
0x81: {  	_ =	shalt  }
0x82: {  	_ =	shalt  }
0x83: {  	_ =	shalt  }
0x84: {  	_ =	shalt  }
0x85: {  	_ =	shalt  }
0x86: {  	_ =	shalt  }
0x87: {  	_ =	shalt  }
.Lfunc_end0:
.L_simem_size_0:
called_computation_lowered:
.L_overlay_start_0:
0x88: {  	s2 =	sld [smem:$0x3FD9]  }
0x89: {  	s3 =	sld [smem:$0x3FFE];
	_ =	sdelay $0x1  }
0x8a: {  	s1 =	srdreg.scid  }
0x8b: {  	s0 =	sand.u32 $0x1, s1  }
0x8c: {  	s17 =	sshll.u32 s0, $0xA;
	s2 =	sadd.s32 s3, s2  }
0x8d: {  	s2 =	sadd.s32 s2, s17  }
0x8e: {  	[smem:$0x3FC2] =	sst s2  }
0x8f: {  	_ = 	snop  }
0x90: {  	s2 =	sld [smem:$0x3FD0];
	(tm) =	ssettm $0x1  }
0x91: {  	s18 =	sld [smem:$0x3FFB];
	_ =	sdelay $0x3  }
0x92: {  	_ =	strace s18  }
0x93: {  	s3 =	sld [smem:$0x3FFC];
	_ =	sdelay $0x3  }
0x94: {  	_ =	strace s3  }
0x95: {  	s3 =	sld [smem:$0x3FFD];
	_ =	sdelay $0x3  }
0x96: {  	_ =	strace s3  }
0x97: {  	_ =	strace $0x8FFFFFFF  }
0x98: {  	s19 =	sld [smem:$0x3FDB];
	_ =	sdelay $0x1  }
0x99: {  	s4 =	simm.s32 $_scs_section_size  }
0x9a: {  	s5 =	simm.s32 $_size__tile_overlayer_lowered;
	s6 =	simm.s32 $_tile_overlayer_lowered  }
0x9b: {  	s22 =	simm.s32 $0x1BFF;
	s21 =	sshll.u32 s6, $0x1;
	s3 =	sadd.s32 s4, s19  }
0x9c: {  	s7 =	simm.s32 $0x0;
	s20 =	sshll.u32 s5, $0x1;
	s5 =	sadd.s32 s21, s3  }
0x9d: {  	[timem:s7], [sflag:s22] =	dma.local [hbm:s5], s20  }
0x9e: {  	_ =	swait.ge [sflag:s22], s20  }
0x9f: {  	s4 =	ssub.s32 $0x0, s20;
	[sflag:s22] =	ssyncset.done $0x0  }
0xa0: {  	[sflag:s22] =	ssyncadd.s32 s4;
	_ =	sdelay $0x1  }
0xa1: {  	s23 =	simm.s32 $0x1B8B  }
0xa2: {  	_ =	swait.ge [sflag:s23], $0x1  }
0xa3: {  	[sflag:s23] =	ssyncset.done $0x0  }
0xa4: {  	s25 =	simm.s32 $0x1B8E;
	s24 =	sld [smem:$0x3FFE];
	[sflag:s23] =	ssyncadd.s32 $0xFFFFFFFF  }
0xa5: {  	s26 =	simm.s32 $execute0_lowered;
	[smem:$0x3FD2] =	sst s25  }
0xa6: {  	s5 =	sshll.u32 s26, $0x1;
	_ =	strace $0x80000046;
	[dreg:$0x1] =	wrdreg $0xFFFFFFFF  }
0xa7: {  	s28 =	simm.s32 $_size_execute0_lowered;
	s3 =	sadd.s32 s3, s5;
	[dreg:$0x0] =	wrdreg $0x0  }
0xa8: {  	s5 =	sshll.u32 s28, $0x1;
	[dreg:$0x2] =	wrdreg s3  }
0xa9: {  	[dreg:$0x3] =	wrdreg s5  }
0xaa: {  	[dreg:$0x4] =	wrdreg $0xC0  }
0xab: {  	_ =	task [dreg:s7], $0x5FFFF  }
0xac: {  	[dreg:$0x1] =	wrdreg $0xFFFFFFFF  }
0xad: {  	[dreg:$0x0] =	wrdreg $0x60  }
0xae: {  	[dreg:$0x2] =	wrdreg s2  }
0xaf: {  	[dreg:$0x3] =	wrdreg s24  }
0xb0: {  	[dreg:$0x4] =	wrdreg $0x1000  }
0xb1: {  	[dreg:$0x5] =	wrdreg $0x9  }
0xb2: {  	_ =	task.clear_ibuf [dreg:s7], $0x6FFFF;
	_ =	strace $0x90000046  }
0xb3: {  	s29 =	simm.s32 $0x9;
	_ =	strace $0x80000048  }
0xb4: {  	_ =	swait.ge [sflag:s29], $0x1  }
0xb5: {  	[sflag:s29] =	ssyncadd.s32 $0xFFFFFFFF  }
0xb6: {  	_ =	strace $0x90000048  }
0xb7: {  	_ =	sfence  }
0xb8: {  	s30 =	sld [smem:$0x0];
	_ =	sdelay $0x2  }
0xb9: {  	s31 =	sshll.u32 s1, $0xD;
	s1 =	sshrl.u32 s1, $0x2  }
0xba: {  	s3 =	sand.u32 $0x4000, s31;
	s1 =	sadd.s32 s1, s30  }
0xbb: {  	s0 =	sor.u32 s3, s0;
	s1 =	sshll.u32 s1, $0x11  }
0xbc: {  	s0 =	sor.u32 s1, s0  }
0xbd: {  	s0 =	sadd.s32 $0x8F2B, s0  }
0xbe: {  	[sflag:s0] =	ssyncadd.remote.s32 $0x1  }
0xbf: {  	_ =	sfence.sel $0xFFFF  }
0xc0: {  	[dreg:$0x0] =	wrdreg $0xFFFFFFFF;
	(pc) =	sbr.abs _section_cstart, $3  }
0xc1: {  	[dreg:$0x1] =	wrdreg $0xFFFFFFFF  }
0xc2: {  	_ =	task.clear_ibuf [dreg:s7], $0x2FFFF;
	_ =	strace $0x9FFFFFFF  }
0xc3: {  	(tm) =	ssettm $0x7FFFFFFF  }
tec
execute0_lowered:
.L_overlay_start_1:
0x0: {  	(tag) =	ssettag $0x1  }
0x1: {  	s8 =	rddreg [dreg:$0x0]  }
0x2: {  	s5 =	rddreg [dreg:$0x1]  }
0x3: {  	s2 =	rddreg [dreg:$0x2]  }
0x4: {  	s0 =	rddreg [dreg:$0x3];
	s1 =	stileid.u32  }
0x5: {  	s3 =	simm.s32 $0x0;
	s4 =	srdreg.scid;
	s14 =	simm.s32 $0x10  }
0x6: {  	s15 =	simm.s32 $0x0;
	s6 =	smul.u32 $0x280, s1;
	[smem:$0x7FF] =	sst s3  }
0x7: {  	s7 =	sand.u32 $0x1, s4;
	s9 =	smul.u32 $0x500, s1;
	s4 =	sadd.s32 $0x1E00, s5  }
0x8: {  	s30 =	smul.u32 $0x4F0, s1;
	s31 =	sshll.u32 s1, $0x6;
	_ =	strace $0x80000047  }
0x9: {  	s10 =	sshll.u32 s7, $0x7;
	s28 =	ssub.s32 $0x2, s7;
	s29 =	smul.u32 $0x4F00, s7  }
0xa: {  	s11 =	sshrl.u32 s6, $0x3;
	s9 =	sor.u32 s10, s9;
	s12 =	sshrl.u32 s28, $0x1  }
0xb: {  	s13 =	sadd.s32 s6, s2;
	s11 =	sadd.s32 s11, s5;
	s9 =	sshrl.u32 s9, $0x3  }
0xc: {  	s10 =	ssub.s32 s28, s12;
	s8 =	sadd.s32 s29, s8;
	s12 =	sshrl.u32 s13, $0x3  }
0xd: {  	s13 =	simm.s32 $0x20;
	s9 =	sadd.s32 s9, s5;
	s5 =	sadd.s32 $0x2000, s11  }
0xe: {  	s7 =	smax.u32 s10, $0x1;
	s8 =	sadd.s32 s30, s8;
	s10 =	simm.s32 $0x1  }
0xf: {  	s11 =	sor.u32 $0x1C01, s31;
	s6 =	sadd.s32 $0x2600, s9;
	s9 =	simm.s32 $0x80  }
.LBB2_1:
0x10: {  	[tilespmem:s9], [sflag:$0x1] =	stream.linear.gather [hbm4b:s4+s3], $0x80, $0x38;
	[tilespmem:$0x380] =	vst v63  }
0x11: {  	_ =	swait.ge [sflag:s10], $0x80  }
0x12: {  	[sflag:s10] =	ssyncset.done $0x0  }
0x13: {  	[sflag:s10] =	ssyncadd.s32 $0xFFFFFF80  }
0x14: {  	[spmem:s12], [sflag:s11] =	dma.local [hbm:s5], $0x50  }
0x15: {  	_ =	swait.ge [sflag:s10], $0x50  }
0x16: {  	[sflag:s10] =	ssyncset.done $0x0  }
0x17: {  	[sflag:s10] =	ssyncadd.s32 $0xFFFFFFB0  }
0x18: {  	[bflag:$0x0] =	sbarrier.arrive $0xFFFF  }
0x19: {  	s16 =	sadd.s32 $0x0, s8;
	[bflag:$0x0] =	sbarrier.arrive $0xFFFF  }
0x1a: {  	[tilespmem:s3], [sflag:$0x1] =	stream.linear.gather [hbm4b:s16+s3], $0x80, $0x38;
	[tilespmem:$0x380] =	vst v63  }
0x1b: {  	_ =	swait.ge [sflag:s10], $0x80  }
0x1c: {  	[sflag:s10] =	ssyncset.done $0x0  }
0x1d: {  	[sflag:s10] =	ssyncadd.s32 $0xFFFFFF80  }
0x1e: {  	[spmem:s2] =	stream.indirect.scatter.add.f32 [tilespmem:s9], [sflag:$0x1], $0x1, s3, s9, $0xb8;
	[tilespmem:$0x380] =	vst v63  }
0x1f: {  	_ =	swait.ge [sflag:s10], $0x80  }
0x20: {  	s17 =	simm.s32 $0x20;
	s16 =	simm.s32 $0x10;
	[sflag:s10] =	ssyncset.done $0x0  }
.LBB2_2:
0x21: {  	s18 =	sadd.s32 s16, s8  }
0x22: {  	[sflag:s10] =	ssyncadd.s32 $0xFFFFFF80;
	s16 =	smov.u32 s17;
	s19 =	sadd.s32 $0x10, s17  }
0x23: {  	[tilespmem:s3], [sflag:$0x1] =	stream.linear.gather [hbm4b:s18+s3], $0x80, $0x38;
	[tilespmem:$0x380] =	vst v63  }
0x24: {  	p0 =	sne.s32 s17, $0x4E0;
	_ =	swait.ge [sflag:s10], $0x80  }
.Ltmp0:
0x25: {  	[sflag:s10] =	ssyncset.done $0x0;
	(pc) =	sbr.rel @p0 .LBB2_2-.Ltmp0, $4  }
0x26: {  	[sflag:s10] =	ssyncadd.s32 $0xFFFFFF80  }
0x27: {  	[spmem:s2] =	stream.indirect.scatter.add.f32 [tilespmem:s9], [sflag:$0x1], $0x1, s3, s9, $0xb8;
	[tilespmem:$0x380] =	vst v63  }
0x28: {  	_ =	swait.ge [sflag:s10], $0x80  }
0x29: {  	s17 =	smov.u32 s19;
	[sflag:s10] =	ssyncset.done $0x0  }
0x2a: {  	s16 =	sadd.s32 s16, s8;
	[sflag:s10] =	ssyncadd.s32 $0xFFFFFF80  }
0x2b: {  	[tilespmem:s3], [sflag:$0x1] =	stream.linear.gather [hbm4b:s16+s3], $0x80, $0x38;
	[tilespmem:$0x380] =	vst v63  }
0x2c: {  	_ =	swait.ge [sflag:s10], $0x80  }
0x2d: {  	[sflag:s10] =	ssyncset.done $0x0  }
0x2e: {  	[sflag:s10] =	ssyncadd.s32 $0xFFFFFF80  }
0x2f: {  	[spmem:s2] =	stream.indirect.scatter.add.f32 [tilespmem:s9], [sflag:$0x1], $0x1, s3, s9, $0xb8;
	[tilespmem:$0x380] =	vst v63  }
0x30: {  	_ =	swait.ge [sflag:s10], $0x80  }
0x31: {  	[sflag:s10] =	ssyncset.done $0x0  }
0x32: {  	s15 =	sadd.s32 $0x1, s15;
	[sflag:s10] =	ssyncadd.s32 $0xFFFFFF80  }
0x33: {  	p0 =	sne.s32 s15, s7;
	[bflag:$0x0] =	sbarrier.arrive $0xFFFF  }
.Ltmp1:
0x34: {  	[bflag:$0x0] =	sbarrier.arrive $0xFFFF;
	(pc) =	sbr.rel @p0 .LBB2_1-.Ltmp1, $4  }
0x35: {  	[hbm:s6@s13], [sflag:s11] =	dma.strided [spmem:s12@s14], $0x50, s10, $0x10   }
0x36: {  	_ =	swait.ge [sflag:s10], $0x50  }
0x37: {  	[sflag:s10] =	ssyncset.done $0x0  }
0x38: {  	[sflag:s10] =	ssyncadd.s32 $0xFFFFFFB0  }
0x39: {  	_ =	sfence.sel $0x180000  }
0x3a: {  	[bflag:$0x0] =	sbarrier.arrive $0xFFFF  }
0x3b: {  	p0 =	sne.s32 s1, $0x0;
	_ =	strace $0x90000047  }
0x3c: {  	s0 =	sadd.s32 @!p0 $0x100000, s0;
	[bflag:$0x2] =	sbarrier.arrive $0xFFFF  }
0x3d: {  	[sflag:s0] =	ssyncadd.tile.s32 @!p0 $0x1;
	_ =	shalt  }
.Lfunc_end2:
_tile_overlayer_lowered:
.L_overlay_start_2:
0x3e: {  	(tag) =	ssettag $0x2  }
0x3f: {  	s0 =	rddreg [dreg:$0x0];
	s2 =	stileid.u32  }
0x40: {  	s1 =	rddreg [dreg:$0x1];
	p0 =	sne.s32 s2, $0x0  }
0x41: {  	s3 =	rddreg [dreg:$0x2];
	[bflag:$0x3] =	sbarrier.arrive $0xFFFF;
	s2 =	simm.s32 @!p0 $0x1C01  }
0x42: {  	[timem:s3], [sflag:s2] =	dma.local @!p0 [hbm:s0], s1  }
0x43: {  	s0 =	simm.s32 @!p0 $0x1  }
0x44: {  	_ =	swait.ge @!p0 [sflag:s0], s1  }
0x45: {  	s1 =	ssub.s32 @!p0 $0x0, s1;
	[sflag:s0] =	ssyncset.done @!p0 $0x0  }
0x46: {  	[sflag:s0] =	ssyncadd.s32 @!p0 s1  }
0x47: {  	[bflag:$0x3] =	sbarrier.arrive $0xFFFF  }
0x48: {  	_ =	shalt  }

</sc_bundles>
